<compile_context>
chip_gen: v7x
topology: tpu7x:2x2x1
jax: 0.10.2.dev20260603
libtpu: 0.0.44.dev20260713+nightly
codegen_flags: <defaults>
</compile_context>

<pallas_src>
import functools
import math

import jax
import jax.numpy as jnp
from jax import lax
from jax.experimental import pallas as pl
from jax.experimental.pallas import tpu as pltpu
from jax.experimental.pallas import tpu_sc as plsc

D_DIM = 128
EMB_SCALE = math.sqrt(float(D_DIM))


def kernel(input_ids, token_type_ids, table):
    B, L = input_ids.shape
    N = B * L
    ids_a = input_ids.reshape(N)
    ids_b = token_type_ids.reshape(N)

    info = plsc.get_sparse_core_info()
    NC, NS = info.num_cores, info.num_subcores
    NW = NC * NS
    assert N % NW == 0
    per_w = N // NW
    C = 160
    assert per_w % (2 * C) == 0
    n_chunks = per_w // C
    H = n_chunks // 2

    mesh = plsc.VectorSubcoreMesh(core_axis_name="c", subcore_axis_name="s")

    @functools.partial(
        pl.kernel,
        mesh=mesh,
        out_type=jax.ShapeDtypeStruct((N, D_DIM), jnp.float32),
        scratch_types=[
            pltpu.VMEM((C,), jnp.int32),
            pltpu.VMEM((C,), jnp.int32),
            pltpu.VMEM((C,), jnp.int32),
            pltpu.VMEM((C,), jnp.int32),
            pltpu.VMEM((C, D_DIM), jnp.float32),
            pltpu.VMEM((C, D_DIM), jnp.float32),
            pltpu.VMEM((C, D_DIM), jnp.float32),
            pltpu.VMEM((C, D_DIM), jnp.float32),
            pltpu.VMEM((C, D_DIM), jnp.float32),
            pltpu.VMEM((C, D_DIM), jnp.float32),
            pltpu.SemaphoreType.DMA,
            pltpu.SemaphoreType.DMA,
            pltpu.SemaphoreType.DMA,
            pltpu.SemaphoreType.DMA,
        ],
    )
    def sc_embed(tab, a_hbm, b_hbm, out_hbm,
                 ixa0, ixb0, ixa1, ixb1,
                 ba0, bb0, bo0, ba1, bb1, bo1,
                 sg0, sg1, so0, so1):
        wid = lax.axis_index("s") * NC + lax.axis_index("c")
        base = wid * per_w
        IXA = (ixa0, ixa1)
        IXB = (ixb0, ixb1)
        BA = (ba0, ba1)
        BB = (bb0, bb1)
        BO = (bo0, bo1)
        SG = (sg0, sg1)
        SO = (so0, so1)

        def fetch(g, p):
            off = base + g * C
            pltpu.sync_copy(a_hbm.at[pl.ds(off, C)], IXA[p])
            pltpu.sync_copy(b_hbm.at[pl.ds(off, C)], IXB[p])
            pltpu.async_copy(tab.at[IXA[p]], BA[p], SG[p])
            pltpu.async_copy(tab.at[IXB[p]], BB[p], SG[p])

        def wait_gathers(p):
            pltpu.make_async_copy(tab.at[IXA[p]], BA[p], SG[p]).wait()
            pltpu.make_async_copy(tab.at[IXB[p]], BB[p], SG[p]).wait()

        def compute(p):
            ba, bb, bo = BA[p], BB[p], BO[p]

            @plsc.parallel_loop(0, C, 1, unroll=2)
            def _(r):
                for j in range(D_DIM // 16):
                    s = pl.ds(j * 16, 16)
                    bo[r, s] = ba[r, s] * EMB_SCALE + bb[r, s]

        def put(g, p):
            pltpu.async_copy(BO[p], out_hbm.at[pl.ds(base + g * C, C)], SO[p])

        def wait_put(p):
            pltpu.make_async_copy(BO[p], out_hbm.at[pl.ds(base, C)],
                                  SO[p]).wait()

        fetch(0, 0)

        def body(h, carry):
            g0 = 2 * h
            fetch(g0 + 1, 1)
            wait_gathers(0)

            @pl.when(h > 0)
            def _():
                wait_put(0)

            compute(0)
            put(g0, 0)

            @pl.when(h < H - 1)
            def _():
                fetch(g0 + 2, 0)

            wait_gathers(1)

            @pl.when(h > 0)
            def _():
                wait_put(1)

            compute(1)
            put(g0 + 1, 1)
            return carry

        lax.fori_loop(0, H, body, 0)
        wait_put(0)
        wait_put(1)

    out = sc_embed(table, ids_a, ids_b)
    return out.reshape(B, L, D_DIM)

# --- scband reference (transcript-rebuilt; emitter-appended) ---
"""Pipeline reference for scband-mkembedding-44229573214530 (READ-ONLY COPY).

The authoritative reference and input builder live on the scoring server;
editing this copy changes nothing except your own understanding.
"""

import math
import jax, jax.numpy as jnp
import numpy as np

VOCAB = 100000
D_MODEL = 128
PAD_IDX = 1
SCALE = math.sqrt(D_MODEL)  # scale_embedding=True
B, L = 4096, 200

def setup_inputs(seed: int = 0) -> dict:
    key = jax.random.key(seed)
    k1, k2, k3 = jax.random.split(key, 3)
    # Embedding table (nn.Embedding zeroes the padding_idx row)
    table = jax.random.normal(k1, (VOCAB, D_MODEL), dtype=jnp.float32) * 0.02
    table = table.at[PAD_IDX].set(0.0)
    input_ids = jax.random.randint(k2, (B, L), 0, VOCAB, dtype=jnp.int32)
    token_type_ids = jax.random.randint(k3, (B, L), 0, VOCAB, dtype=jnp.int32)
    return {"input_ids": input_ids, "token_type_ids": token_type_ids, "table": table}

def reference(input_ids, token_type_ids, table):
    # input_ids.view(-1, input_shape[-1]) is identity for 2-D input
    inputs_embeds = jnp.take(table, input_ids, axis=0) * SCALE
    token_type_embeds = jnp.take(table, token_type_ids, axis=0)
    embeds = inputs_embeds + token_type_embeds
    return embeds

if __name__ == "__main__":
    import jax
    _d = setup_inputs()
    print(jax.jit(kernel)(*tuple(_d.values())))

</pallas_src>

<mosaic_0001>
#map = affine_map<(d0, d1) -> (0, 0)>
#map1 = affine_map<(d0, d1) -> (0)>
module attributes {stable_mosaic.version = 14 : i64} {
  func.func @sc_embed(%arg0: i32, %arg1: i32, %arg2: memref<100000x128xf32, #tpu.memory_space<hbm>>, %arg3: memref<819200xi32, #tpu.memory_space<hbm>>, %arg4: memref<819200xi32, #tpu.memory_space<hbm>>, %arg5: memref<819200x128xf32, #tpu.memory_space<hbm>>, %arg6: memref<160xi32, #tpu.memory_space<vmem>>, %arg7: memref<160xi32, #tpu.memory_space<vmem>>, %arg8: memref<160xi32, #tpu.memory_space<vmem>>, %arg9: memref<160xi32, #tpu.memory_space<vmem>>, %arg10: memref<160x128xf32, #tpu.memory_space<vmem>>, %arg11: memref<160x128xf32, #tpu.memory_space<vmem>>, %arg12: memref<160x128xf32, #tpu.memory_space<vmem>>, %arg13: memref<160x128xf32, #tpu.memory_space<vmem>>, %arg14: memref<160x128xf32, #tpu.memory_space<vmem>>, %arg15: memref<160x128xf32, #tpu.memory_space<vmem>>, %arg16: memref<!tpu.dma_semaphore, #tpu.memory_space<semaphore_mem>>, %arg17: memref<!tpu.dma_semaphore, #tpu.memory_space<semaphore_mem>>, %arg18: memref<!tpu.dma_semaphore, #tpu.memory_space<semaphore_mem>>, %arg19: memref<!tpu.dma_semaphore, #tpu.memory_space<semaphore_mem>>) attributes {dimension_semantics = [#tpu.dimension_semantics<core_parallel>, #tpu.dimension_semantics<subcore_parallel>], iteration_bounds = array<i64: 2, 16>, scalar_prefetch = 0 : i64, scratch_operands = 14 : i64, tpu.core_type = #tpu.core_type<sc_vector_subcore>, window_params = [{transform_indices = #map}, {transform_indices = #map1}, {transform_indices = #map1}, {transform_indices = #map}]} {
    %mul3A = arith.constant 2 : i32
    %mul3A_0 = arith.muli %arg1, %mul3A : i32
    %add3A = arith.addi %mul3A_0, %arg0 : i32
    %mul3A_1 = arith.constant 25600 : i32
    %mul3A_2 = arith.muli %add3A, %mul3A_1 : i32
    %add3A_3 = arith.constant 0 : i32
    %add3A_4 = arith.addi %mul3A_2, %add3A_3 : i32
    "tpu.region"() ({
      %run_scoped3A = tpu.sem_alloc : memref<!tpu.dma_semaphore, #tpu.memory_space<semaphore_mem>>
      %dma_start3A_22 = tpu.memref_slice %arg3[%add3A_4] : memref<819200xi32, #tpu.memory_space<hbm>> -> memref<160xi32, #tpu.memory_space<hbm>>
      %dma_start3A_23 = tpu.memref_slice %arg3[%add3A_4] : memref<819200xi32, #tpu.memory_space<hbm>> -> memref<160xi32, #tpu.memory_space<hbm>>
      tpu.enqueue_dma source(%dma_start3A_23 : memref<160xi32, #tpu.memory_space<hbm>>) target(%arg6 : memref<160xi32, #tpu.memory_space<vmem>>) target_semaphore(%run_scoped3A : memref<!tpu.dma_semaphore, #tpu.memory_space<semaphore_mem>>)
      %dma_wait3A_24 = tpu.memref_slice %arg3[%add3A_4] : memref<819200xi32, #tpu.memory_space<hbm>> -> memref<160xi32, #tpu.memory_space<hbm>>
      %dma_wait3A_25 = tpu.memref_slice %arg3[%add3A_4] : memref<819200xi32, #tpu.memory_space<hbm>> -> memref<160xi32, #tpu.memory_space<hbm>>
      tpu.wait_dma2 semaphore(%run_scoped3A : memref<!tpu.dma_semaphore, #tpu.memory_space<semaphore_mem>>) src(%dma_wait3A_25 : memref<160xi32, #tpu.memory_space<hbm>>) dst(%arg6 : memref<160xi32, #tpu.memory_space<vmem>>)
      tpu.yield
    }) : () -> ()
    "tpu.region"() ({
      %run_scoped3A = tpu.sem_alloc : memref<!tpu.dma_semaphore, #tpu.memory_space<semaphore_mem>>
      %dma_start3A_22 = tpu.memref_slice %arg4[%add3A_4] : memref<819200xi32, #tpu.memory_space<hbm>> -> memref<160xi32, #tpu.memory_space<hbm>>
      %dma_start3A_23 = tpu.memref_slice %arg4[%add3A_4] : memref<819200xi32, #tpu.memory_space<hbm>> -> memref<160xi32, #tpu.memory_space<hbm>>
      tpu.enqueue_dma source(%dma_start3A_23 : memref<160xi32, #tpu.memory_space<hbm>>) target(%arg7 : memref<160xi32, #tpu.memory_space<vmem>>) target_semaphore(%run_scoped3A : memref<!tpu.dma_semaphore, #tpu.memory_space<semaphore_mem>>)
      %dma_wait3A_24 = tpu.memref_slice %arg4[%add3A_4] : memref<819200xi32, #tpu.memory_space<hbm>> -> memref<160xi32, #tpu.memory_space<hbm>>
      %dma_wait3A_25 = tpu.memref_slice %arg4[%add3A_4] : memref<819200xi32, #tpu.memory_space<hbm>> -> memref<160xi32, #tpu.memory_space<hbm>>
      tpu.wait_dma2 semaphore(%run_scoped3A : memref<!tpu.dma_semaphore, #tpu.memory_space<semaphore_mem>>) src(%dma_wait3A_25 : memref<160xi32, #tpu.memory_space<hbm>>) dst(%arg7 : memref<160xi32, #tpu.memory_space<vmem>>)
      tpu.yield
    }) : () -> ()
    %dma_start3A = arith.constant 0 : i32
    %dma_start3A_5 = arith.constant 0 : i32
    %dma_start3A_6 = tpu.memref_slice %arg2[%dma_start3A, %dma_start3A_5] : memref<100000x128xf32, #tpu.memory_space<hbm>> -> memref<100000x128xf32, #tpu.memory_space<hbm>>
    tpu.enqueue_indirect_dma source(%dma_start3A_6 : memref<100000x128xf32, #tpu.memory_space<hbm>>) target(%arg10 : memref<160x128xf32, #tpu.memory_space<vmem>>) offsets(%arg6 : memref<160xi32, #tpu.memory_space<vmem>>) semaphore(%arg16 : memref<!tpu.dma_semaphore, #tpu.memory_space<semaphore_mem>>)
    %dma_start3A_7 = arith.constant 0 : i32
    %dma_start3A_8 = arith.constant 0 : i32
    %dma_start3A_9 = tpu.memref_slice %arg2[%dma_start3A_7, %dma_start3A_8] : memref<100000x128xf32, #tpu.memory_space<hbm>> -> memref<100000x128xf32, #tpu.memory_space<hbm>>
    tpu.enqueue_indirect_dma source(%dma_start3A_9 : memref<100000x128xf32, #tpu.memory_space<hbm>>) target(%arg11 : memref<160x128xf32, #tpu.memory_space<vmem>>) offsets(%arg7 : memref<160xi32, #tpu.memory_space<vmem>>) semaphore(%arg16 : memref<!tpu.dma_semaphore, #tpu.memory_space<semaphore_mem>>)
    %scan3A = arith.constant 0 : i32
    %scan3A_10 = arith.constant 0 : i32
    %scan3A_11 = arith.constant 80 : i32
    %scan3A_12 = arith.addi %scan3A_10, %scan3A_11 : i32
    %scan3A_13 = arith.constant 1 : i32
    scf.for %scan3A_22 = %scan3A_10 to %scan3A_12 step %scan3A_13  : i32 {
      %mul3A_23 = arith.constant 2 : i32
      %mul3A_24 = arith.muli %mul3A_23, %scan3A_22 : i32
      %add3A_25 = arith.constant 1 : i32
      %add3A_26 = arith.addi %mul3A_24, %add3A_25 : i32
      %mul3A_27 = arith.constant 160 : i32
      %mul3A_28 = arith.muli %add3A_26, %mul3A_27 : i32
      %add3A_29 = arith.addi %mul3A_2, %mul3A_28 : i32
      "tpu.region"() ({
        %run_scoped3A = tpu.sem_alloc : memref<!tpu.dma_semaphore, #tpu.memory_space<semaphore_mem>>
        %dma_start3A_80 = tpu.memref_slice %arg3[%add3A_29] : memref<819200xi32, #tpu.memory_space<hbm>> -> memref<160xi32, #tpu.memory_space<hbm>>
        %dma_start3A_81 = tpu.memref_slice %arg3[%add3A_29] : memref<819200xi32, #tpu.memory_space<hbm>> -> memref<160xi32, #tpu.memory_space<hbm>>
        tpu.enqueue_dma source(%dma_start3A_81 : memref<160xi32, #tpu.memory_space<hbm>>) target(%arg8 : memref<160xi32, #tpu.memory_space<vmem>>) target_semaphore(%run_scoped3A : memref<!tpu.dma_semaphore, #tpu.memory_space<semaphore_mem>>)
        %dma_wait3A_82 = tpu.memref_slice %arg3[%add3A_29] : memref<819200xi32, #tpu.memory_space<hbm>> -> memref<160xi32, #tpu.memory_space<hbm>>
        %dma_wait3A_83 = tpu.memref_slice %arg3[%add3A_29] : memref<819200xi32, #tpu.memory_space<hbm>> -> memref<160xi32, #tpu.memory_space<hbm>>
        tpu.wait_dma2 semaphore(%run_scoped3A : memref<!tpu.dma_semaphore, #tpu.memory_space<semaphore_mem>>) src(%dma_wait3A_83 : memref<160xi32, #tpu.memory_space<hbm>>) dst(%arg8 : memref<160xi32, #tpu.memory_space<vmem>>)
        tpu.yield
      }) : () -> ()
      "tpu.region"() ({
        %run_scoped3A = tpu.sem_alloc : memref<!tpu.dma_semaphore, #tpu.memory_space<semaphore_mem>>
        %dma_start3A_80 = tpu.memref_slice %arg4[%add3A_29] : memref<819200xi32, #tpu.memory_space<hbm>> -> memref<160xi32, #tpu.memory_space<hbm>>
        %dma_start3A_81 = tpu.memref_slice %arg4[%add3A_29] : memref<819200xi32, #tpu.memory_space<hbm>> -> memref<160xi32, #tpu.memory_space<hbm>>
        tpu.enqueue_dma source(%dma_start3A_81 : memref<160xi32, #tpu.memory_space<hbm>>) target(%arg9 : memref<160xi32, #tpu.memory_space<vmem>>) target_semaphore(%run_scoped3A : memref<!tpu.dma_semaphore, #tpu.memory_space<semaphore_mem>>)
        %dma_wait3A_82 = tpu.memref_slice %arg4[%add3A_29] : memref<819200xi32, #tpu.memory_space<hbm>> -> memref<160xi32, #tpu.memory_space<hbm>>
        %dma_wait3A_83 = tpu.memref_slice %arg4[%add3A_29] : memref<819200xi32, #tpu.memory_space<hbm>> -> memref<160xi32, #tpu.memory_space<hbm>>
        tpu.wait_dma2 semaphore(%run_scoped3A : memref<!tpu.dma_semaphore, #tpu.memory_space<semaphore_mem>>) src(%dma_wait3A_83 : memref<160xi32, #tpu.memory_space<hbm>>) dst(%arg9 : memref<160xi32, #tpu.memory_space<vmem>>)
        tpu.yield
      }) : () -> ()
      %dma_start3A_30 = arith.constant 0 : i32
      %dma_start3A_31 = arith.constant 0 : i32
      %dma_start3A_32 = tpu.memref_slice %arg2[%dma_start3A_30, %dma_start3A_31] : memref<100000x128xf32, #tpu.memory_space<hbm>> -> memref<100000x128xf32, #tpu.memory_space<hbm>>
      tpu.enqueue_indirect_dma source(%dma_start3A_32 : memref<100000x128xf32, #tpu.memory_space<hbm>>) target(%arg13 : memref<160x128xf32, #tpu.memory_space<vmem>>) offsets(%arg8 : memref<160xi32, #tpu.memory_space<vmem>>) semaphore(%arg17 : memref<!tpu.dma_semaphore, #tpu.memory_space<semaphore_mem>>)
      %dma_start3A_33 = arith.constant 0 : i32
      %dma_start3A_34 = arith.constant 0 : i32
      %dma_start3A_35 = tpu.memref_slice %arg2[%dma_start3A_33, %dma_start3A_34] : memref<100000x128xf32, #tpu.memory_space<hbm>> -> memref<100000x128xf32, #tpu.memory_space<hbm>>
      tpu.enqueue_indirect_dma source(%dma_start3A_35 : memref<100000x128xf32, #tpu.memory_space<hbm>>) target(%arg14 : memref<160x128xf32, #tpu.memory_space<vmem>>) offsets(%arg9 : memref<160xi32, #tpu.memory_space<vmem>>) semaphore(%arg17 : memref<!tpu.dma_semaphore, #tpu.memory_space<semaphore_mem>>)
      %dma_wait3A_36 = arith.constant 0 : i32
      %dma_wait3A_37 = arith.constant 0 : i32
      %dma_wait3A_38 = tpu.memref_slice %arg2[%dma_wait3A_36, %dma_wait3A_37] : memref<100000x128xf32, #tpu.memory_space<hbm>> -> memref<100000x128xf32, #tpu.memory_space<hbm>>
      tpu.wait_indirect_dma semaphore(%arg16 : memref<!tpu.dma_semaphore, #tpu.memory_space<semaphore_mem>>) src(%dma_wait3A_38 : memref<100000x128xf32, #tpu.memory_space<hbm>>) dst(%arg10 : memref<160x128xf32, #tpu.memory_space<vmem>>)
      %dma_wait3A_39 = arith.constant 0 : i32
      %dma_wait3A_40 = arith.constant 0 : i32
      %dma_wait3A_41 = tpu.memref_slice %arg2[%dma_wait3A_39, %dma_wait3A_40] : memref<100000x128xf32, #tpu.memory_space<hbm>> -> memref<100000x128xf32, #tpu.memory_space<hbm>>
      tpu.wait_indirect_dma semaphore(%arg16 : memref<!tpu.dma_semaphore, #tpu.memory_space<semaphore_mem>>) src(%dma_wait3A_41 : memref<100000x128xf32, #tpu.memory_space<hbm>>) dst(%arg11 : memref<160x128xf32, #tpu.memory_space<vmem>>)
      %gt3A = arith.constant 0 : i32
      %gt3A_42 = arith.cmpi sgt, %scan3A_22, %gt3A : i32
      %convert_element_type3A = arith.extui %gt3A_42 : i1 to i32
      %cond3A = arith.constant 0 : i32
      %cond3A_43 = arith.cmpi ne, %convert_element_type3A, %cond3A : i32
      scf.if %cond3A_43 {
        %dma_wait3A_80 = arith.constant 0 : i32
        %dma_wait3A_81 = tpu.memref_slice %arg5[%mul3A_2, %dma_wait3A_80] : memref<819200x128xf32, #tpu.memory_space<hbm>> -> memref<160x128xf32, #tpu.memory_space<hbm>>
        %dma_wait3A_82 = arith.constant 0 : i32
        %dma_wait3A_83 = tpu.memref_slice %arg5[%mul3A_2, %dma_wait3A_82] : memref<819200x128xf32, #tpu.memory_space<hbm>> -> memref<160x128xf32, #tpu.memory_space<hbm>>
        tpu.wait_dma2 semaphore(%arg18 : memref<!tpu.dma_semaphore, #tpu.memory_space<semaphore_mem>>) src(%arg12 : memref<160x128xf32, #tpu.memory_space<vmem>>) dst(%dma_wait3A_83 : memref<160x128xf32, #tpu.memory_space<hbm>>)
      } else {
      }
      %parallel_loop3A = arith.constant 0 : i32
      %parallel_loop3A_44 = arith.constant 160 : i32
      %parallel_loop3A_45 = arith.constant 1 : i32
      scf.for %parallel_loop3A_80 = %parallel_loop3A to %parallel_loop3A_44 step %parallel_loop3A_45  : i32 {
        %parallel_loop3A_81 = arith.index_cast %parallel_loop3A_80 : i32 to index
        %parallel_loop3A_82 = arith.constant 0 : index
        %parallel_loop3A_83 = tpu.vector_load %arg10[%parallel_loop3A_81, %parallel_loop3A_82] {strides = array<i32>} : memref<160x128xf32, #tpu.memory_space<vmem>>, vector<1x16xf32>,
        %parallel_loop3A_84 = vector.shape_cast %parallel_loop3A_83 : vector<1x16xf32> to vector<16xf32>
        %parallel_loop3A_85 = arith.constant 11.3137083 : f32
        %parallel_loop3A_86 = vector.broadcast %parallel_loop3A_85 : f32 to vector<16xf32>
        %parallel_loop3A_87 = arith.mulf %parallel_loop3A_84, %parallel_loop3A_86 : vector<16xf32>
        %parallel_loop3A_88 = arith.index_cast %parallel_loop3A_80 : i32 to index
        %parallel_loop3A_89 = arith.constant 0 : index
        %parallel_loop3A_90 = tpu.vector_load %arg11[%parallel_loop3A_88, %parallel_loop3A_89] {strides = array<i32>} : memref<160x128xf32, #tpu.memory_space<vmem>>, vector<1x16xf32>,
        %parallel_loop3A_91 = vector.shape_cast %parallel_loop3A_90 : vector<1x16xf32> to vector<16xf32>
        %parallel_loop3A_92 = arith.addf %parallel_loop3A_87, %parallel_loop3A_91 : vector<16xf32>
        %parallel_loop3A_93 = arith.index_cast %parallel_loop3A_80 : i32 to index
        %parallel_loop3A_94 = arith.constant 0 : index
        %parallel_loop3A_95 = tpu.vector_load %arg12[%parallel_loop3A_93, %parallel_loop3A_94] {strides = array<i32>} : memref<160x128xf32, #tpu.memory_space<vmem>>, vector<1x16xf32>,
        %parallel_loop3A_96 = vector.shape_cast %parallel_loop3A_95 : vector<1x16xf32> to vector<16xf32>
        %parallel_loop3A_97 = vector.shape_cast %parallel_loop3A_92 : vector<16xf32> to vector<1x16xf32>
        tpu.vector_store %arg12[%parallel_loop3A_93, %parallel_loop3A_94], %parallel_loop3A_97 {strides = array<i32>} : memref<160x128xf32, #tpu.memory_space<vmem>>, vector<1x16xf32>,
        %parallel_loop3A_98 = arith.index_cast %parallel_loop3A_80 : i32 to index
        %parallel_loop3A_99 = arith.constant 16 : index
        %parallel_loop3A_100 = tpu.vector_load %arg10[%parallel_loop3A_98, %parallel_loop3A_99] {strides = array<i32>} : memref<160x128xf32, #tpu.memory_space<vmem>>, vector<1x16xf32>,
        %parallel_loop3A_101 = vector.shape_cast %parallel_loop3A_100 : vector<1x16xf32> to vector<16xf32>
        %parallel_loop3A_102 = arith.constant 11.3137083 : f32
        %parallel_loop3A_103 = vector.broadcast %parallel_loop3A_102 : f32 to vector<16xf32>
        %parallel_loop3A_104 = arith.mulf %parallel_loop3A_101, %parallel_loop3A_103 : vector<16xf32>
        %parallel_loop3A_105 = arith.index_cast %parallel_loop3A_80 : i32 to index
        %parallel_loop3A_106 = arith.constant 16 : index
        %parallel_loop3A_107 = tpu.vector_load %arg11[%parallel_loop3A_105, %parallel_loop3A_106] {strides = array<i32>} : memref<160x128xf32, #tpu.memory_space<vmem>>, vector<1x16xf32>,
        %parallel_loop3A_108 = vector.shape_cast %parallel_loop3A_107 : vector<1x16xf32> to vector<16xf32>
        %parallel_loop3A_109 = arith.addf %parallel_loop3A_104, %parallel_loop3A_108 : vector<16xf32>
        %parallel_loop3A_110 = arith.index_cast %parallel_loop3A_80 : i32 to index
        %parallel_loop3A_111 = arith.constant 16 : index
        %parallel_loop3A_112 = tpu.vector_load %arg12[%parallel_loop3A_110, %parallel_loop3A_111] {strides = array<i32>} : memref<160x128xf32, #tpu.memory_space<vmem>>, vector<1x16xf32>,
        %parallel_loop3A_113 = vector.shape_cast %parallel_loop3A_112 : vector<1x16xf32> to vector<16xf32>
        %parallel_loop3A_114 = vector.shape_cast %parallel_loop3A_109 : vector<16xf32> to vector<1x16xf32>
        tpu.vector_store %arg12[%parallel_loop3A_110, %parallel_loop3A_111], %parallel_loop3A_114 {strides = array<i32>} : memref<160x128xf32, #tpu.memory_space<vmem>>, vector<1x16xf32>,
        %parallel_loop3A_115 = arith.index_cast %parallel_loop3A_80 : i32 to index
        %parallel_loop3A_116 = arith.constant 32 : index
        %parallel_loop3A_117 = tpu.vector_load %arg10[%parallel_loop3A_115, %parallel_loop3A_116] {strides = array<i32>} : memref<160x128xf32, #tpu.memory_space<vmem>>, vector<1x16xf32>,
        %parallel_loop3A_118 = vector.shape_cast %parallel_loop3A_117 : vector<1x16xf32> to vector<16xf32>
        %parallel_loop3A_119 = arith.constant 11.3137083 : f32
        %parallel_loop3A_120 = vector.broadcast %parallel_loop3A_119 : f32 to vector<16xf32>
        %parallel_loop3A_121 = arith.mulf %parallel_loop3A_118, %parallel_loop3A_120 : vector<16xf32>
        %parallel_loop3A_122 = arith.index_cast %parallel_loop3A_80 : i32 to index
        %parallel_loop3A_123 = arith.constant 32 : index
        %parallel_loop3A_124 = tpu.vector_load %arg11[%parallel_loop3A_122, %parallel_loop3A_123] {strides = array<i32>} : memref<160x128xf32, #tpu.memory_space<vmem>>, vector<1x16xf32>,
        %parallel_loop3A_125 = vector.shape_cast %parallel_loop3A_124 : vector<1x16xf32> to vector<16xf32>
        %parallel_loop3A_126 = arith.addf %parallel_loop3A_121, %parallel_loop3A_125 : vector<16xf32>
        %parallel_loop3A_127 = arith.index_cast %parallel_loop3A_80 : i32 to index
        %parallel_loop3A_128 = arith.constant 32 : index
        %parallel_loop3A_129 = tpu.vector_load %arg12[%parallel_loop3A_127, %parallel_loop3A_128] {strides = array<i32>} : memref<160x128xf32, #tpu.memory_space<vmem>>, vector<1x16xf32>,
        %parallel_loop3A_130 = vector.shape_cast %parallel_loop3A_129 : vector<1x16xf32> to vector<16xf32>
        %parallel_loop3A_131 = vector.shape_cast %parallel_loop3A_126 : vector<16xf32> to vector<1x16xf32>
        tpu.vector_store %arg12[%parallel_loop3A_127, %parallel_loop3A_128], %parallel_loop3A_131 {strides = array<i32>} : memref<160x128xf32, #tpu.memory_space<vmem>>, vector<1x16xf32>,
        %parallel_loop3A_132 = arith.index_cast %parallel_loop3A_80 : i32 to index
        %parallel_loop3A_133 = arith.constant 48 : index
        %parallel_loop3A_134 = tpu.vector_load %arg10[%parallel_loop3A_132, %parallel_loop3A_133] {strides = array<i32>} : memref<160x128xf32, #tpu.memory_space<vmem>>, vector<1x16xf32>,
        %parallel_loop3A_135 = vector.shape_cast %parallel_loop3A_134 : vector<1x16xf32> to vector<16xf32>
        %parallel_loop3A_136 = arith.constant 11.3137083 : f32
        %parallel_loop3A_137 = vector.broadcast %parallel_loop3A_136 : f32 to vector<16xf32>
        %parallel_loop3A_138 = arith.mulf %parallel_loop3A_135, %parallel_loop3A_137 : vector<16xf32>
        %parallel_loop3A_139 = arith.index_cast %parallel_loop3A_80 : i32 to index
        %parallel_loop3A_140 = arith.constant 48 : index
        %parallel_loop3A_141 = tpu.vector_load %arg11[%parallel_loop3A_139, %parallel_loop3A_140] {strides = array<i32>} : memref<160x128xf32, #tpu.memory_space<vmem>>, vector<1x16xf32>,
        %parallel_loop3A_142 = vector.shape_cast %parallel_loop3A_141 : vector<1x16xf32> to vector<16xf32>
        %parallel_loop3A_143 = arith.addf %parallel_loop3A_138, %parallel_loop3A_142 : vector<16xf32>
        %parallel_loop3A_144 = arith.index_cast %parallel_loop3A_80 : i32 to index
        %parallel_loop3A_145 = arith.constant 48 : index
        %parallel_loop3A_146 = tpu.vector_load %arg12[%parallel_loop3A_144, %parallel_loop3A_145] {strides = array<i32>} : memref<160x128xf32, #tpu.memory_space<vmem>>, vector<1x16xf32>,
        %parallel_loop3A_147 = vector.shape_cast %parallel_loop3A_146 : vector<1x16xf32> to vector<16xf32>
        %parallel_loop3A_148 = vector.shape_cast %parallel_loop3A_143 : vector<16xf32> to vector<1x16xf32>
        tpu.vector_store %arg12[%parallel_loop3A_144, %parallel_loop3A_145], %parallel_loop3A_148 {strides = array<i32>} : memref<160x128xf32, #tpu.memory_space<vmem>>, vector<1x16xf32>,
        %parallel_loop3A_149 = arith.index_cast %parallel_loop3A_80 : i32 to index
        %parallel_loop3A_150 = arith.constant 64 : index
        %parallel_loop3A_151 = tpu.vector_load %arg10[%parallel_loop3A_149, %parallel_loop3A_150] {strides = array<i32>} : memref<160x128xf32, #tpu.memory_space<vmem>>, vector<1x16xf32>,
        %parallel_loop3A_152 = vector.shape_cast %parallel_loop3A_151 : vector<1x16xf32> to vector<16xf32>
        %parallel_loop3A_153 = arith.constant 11.3137083 : f32
        %parallel_loop3A_154 = vector.broadcast %parallel_loop3A_153 : f32 to vector<16xf32>
        %parallel_loop3A_155 = arith.mulf %parallel_loop3A_152, %parallel_loop3A_154 : vector<16xf32>
        %parallel_loop3A_156 = arith.index_cast %parallel_loop3A_80 : i32 to index
        %parallel_loop3A_157 = arith.constant 64 : index
        %parallel_loop3A_158 = tpu.vector_load %arg11[%parallel_loop3A_156, %parallel_loop3A_157] {strides = array<i32>} : memref<160x128xf32, #tpu.memory_space<vmem>>, vector<1x16xf32>,
        %parallel_loop3A_159 = vector.shape_cast %parallel_loop3A_158 : vector<1x16xf32> to vector<16xf32>
        %parallel_loop3A_160 = arith.addf %parallel_loop3A_155, %parallel_loop3A_159 : vector<16xf32>
        %parallel_loop3A_161 = arith.index_cast %parallel_loop3A_80 : i32 to index
        %parallel_loop3A_162 = arith.constant 64 : index
        %parallel_loop3A_163 = tpu.vector_load %arg12[%parallel_loop3A_161, %parallel_loop3A_162] {strides = array<i32>} : memref<160x128xf32, #tpu.memory_space<vmem>>, vector<1x16xf32>,
        %parallel_loop3A_164 = vector.shape_cast %parallel_loop3A_163 : vector<1x16xf32> to vector<16xf32>
        %parallel_loop3A_165 = vector.shape_cast %parallel_loop3A_160 : vector<16xf32> to vector<1x16xf32>
        tpu.vector_store %arg12[%parallel_loop3A_161, %parallel_loop3A_162], %parallel_loop3A_165 {strides = array<i32>} : memref<160x128xf32, #tpu.memory_space<vmem>>, vector<1x16xf32>,
        %parallel_loop3A_166 = arith.index_cast %parallel_loop3A_80 : i32 to index
        %parallel_loop3A_167 = arith.constant 80 : index
        %parallel_loop3A_168 = tpu.vector_load %arg10[%parallel_loop3A_166, %parallel_loop3A_167] {strides = array<i32>} : memref<160x128xf32, #tpu.memory_space<vmem>>, vector<1x16xf32>,
        %parallel_loop3A_169 = vector.shape_cast %parallel_loop3A_168 : vector<1x16xf32> to vector<16xf32>
        %parallel_loop3A_170 = arith.constant 11.3137083 : f32
        %parallel_loop3A_171 = vector.broadcast %parallel_loop3A_170 : f32 to vector<16xf32>
        %parallel_loop3A_172 = arith.mulf %parallel_loop3A_169, %parallel_loop3A_171 : vector<16xf32>
        %parallel_loop3A_173 = arith.index_cast %parallel_loop3A_80 : i32 to index
        %parallel_loop3A_174 = arith.constant 80 : index
        %parallel_loop3A_175 = tpu.vector_load %arg11[%parallel_loop3A_173, %parallel_loop3A_174] {strides = array<i32>} : memref<160x128xf32, #tpu.memory_space<vmem>>, vector<1x16xf32>,
        %parallel_loop3A_176 = vector.shape_cast %parallel_loop3A_175 : vector<1x16xf32> to vector<16xf32>
        %parallel_loop3A_177 = arith.addf %parallel_loop3A_172, %parallel_loop3A_176 : vector<16xf32>
        %parallel_loop3A_178 = arith.index_cast %parallel_loop3A_80 : i32 to index
        %parallel_loop3A_179 = arith.constant 80 : index
        %parallel_loop3A_180 = tpu.vector_load %arg12[%parallel_loop3A_178, %parallel_loop3A_179] {strides = array<i32>} : memref<160x128xf32, #tpu.memory_space<vmem>>, vector<1x16xf32>,
        %parallel_loop3A_181 = vector.shape_cast %parallel_loop3A_180 : vector<1x16xf32> to vector<16xf32>
        %parallel_loop3A_182 = vector.shape_cast %parallel_loop3A_177 : vector<16xf32> to vector<1x16xf32>
        tpu.vector_store %arg12[%parallel_loop3A_178, %parallel_loop3A_179], %parallel_loop3A_182 {strides = array<i32>} : memref<160x128xf32, #tpu.memory_space<vmem>>, vector<1x16xf32>,
        %parallel_loop3A_183 = arith.index_cast %parallel_loop3A_80 : i32 to index
        %parallel_loop3A_184 = arith.constant 96 : index
        %parallel_loop3A_185 = tpu.vector_load %arg10[%parallel_loop3A_183, %parallel_loop3A_184] {strides = array<i32>} : memref<160x128xf32, #tpu.memory_space<vmem>>, vector<1x16xf32>,
        %parallel_loop3A_186 = vector.shape_cast %parallel_loop3A_185 : vector<1x16xf32> to vector<16xf32>
        %parallel_loop3A_187 = arith.constant 11.3137083 : f32
        %parallel_loop3A_188 = vector.broadcast %parallel_loop3A_187 : f32 to vector<16xf32>
        %parallel_loop3A_189 = arith.mulf %parallel_loop3A_186, %parallel_loop3A_188 : vector<16xf32>
        %parallel_loop3A_190 = arith.index_cast %parallel_loop3A_80 : i32 to index
        %parallel_loop3A_191 = arith.constant 96 : index
        %parallel_loop3A_192 = tpu.vector_load %arg11[%parallel_loop3A_190, %parallel_loop3A_191] {strides = array<i32>} : memref<160x128xf32, #tpu.memory_space<vmem>>, vector<1x16xf32>,
        %parallel_loop3A_193 = vector.shape_cast %parallel_loop3A_192 : vector<1x16xf32> to vector<16xf32>
        %parallel_loop3A_194 = arith.addf %parallel_loop3A_189, %parallel_loop3A_193 : vector<16xf32>
        %parallel_loop3A_195 = arith.index_cast %parallel_loop3A_80 : i32 to index
        %parallel_loop3A_196 = arith.constant 96 : index
        %parallel_loop3A_197 = tpu.vector_load %arg12[%parallel_loop3A_195, %parallel_loop3A_196] {strides = array<i32>} : memref<160x128xf32, #tpu.memory_space<vmem>>, vector<1x16xf32>,
        %parallel_loop3A_198 = vector.shape_cast %parallel_loop3A_197 : vector<1x16xf32> to vector<16xf32>
        %parallel_loop3A_199 = vector.shape_cast %parallel_loop3A_194 : vector<16xf32> to vector<1x16xf32>
        tpu.vector_store %arg12[%parallel_loop3A_195, %parallel_loop3A_196], %parallel_loop3A_199 {strides = array<i32>} : memref<160x128xf32, #tpu.memory_space<vmem>>, vector<1x16xf32>,
        %parallel_loop3A_200 = arith.index_cast %parallel_loop3A_80 : i32 to index
        %parallel_loop3A_201 = arith.constant 112 : index
        %parallel_loop3A_202 = tpu.vector_load %arg10[%parallel_loop3A_200, %parallel_loop3A_201] {strides = array<i32>} : memref<160x128xf32, #tpu.memory_space<vmem>>, vector<1x16xf32>,
        %parallel_loop3A_203 = vector.shape_cast %parallel_loop3A_202 : vector<1x16xf32> to vector<16xf32>
        %parallel_loop3A_204 = arith.constant 11.3137083 : f32
        %parallel_loop3A_205 = vector.broadcast %parallel_loop3A_204 : f32 to vector<16xf32>
        %parallel_loop3A_206 = arith.mulf %parallel_loop3A_203, %parallel_loop3A_205 : vector<16xf32>
        %parallel_loop3A_207 = arith.index_cast %parallel_loop3A_80 : i32 to index
        %parallel_loop3A_208 = arith.constant 112 : index
        %parallel_loop3A_209 = tpu.vector_load %arg11[%parallel_loop3A_207, %parallel_loop3A_208] {strides = array<i32>} : memref<160x128xf32, #tpu.memory_space<vmem>>, vector<1x16xf32>,
        %parallel_loop3A_210 = vector.shape_cast %parallel_loop3A_209 : vector<1x16xf32> to vector<16xf32>
        %parallel_loop3A_211 = arith.addf %parallel_loop3A_206, %parallel_loop3A_210 : vector<16xf32>
        %parallel_loop3A_212 = arith.index_cast %parallel_loop3A_80 : i32 to index
        %parallel_loop3A_213 = arith.constant 112 : index
        %parallel_loop3A_214 = tpu.vector_load %arg12[%parallel_loop3A_212, %parallel_loop3A_213] {strides = array<i32>} : memref<160x128xf32, #tpu.memory_space<vmem>>, vector<1x16xf32>,
        %parallel_loop3A_215 = vector.shape_cast %parallel_loop3A_214 : vector<1x16xf32> to vector<16xf32>
        %parallel_loop3A_216 = vector.shape_cast %parallel_loop3A_211 : vector<16xf32> to vector<1x16xf32>
        tpu.vector_store %arg12[%parallel_loop3A_212, %parallel_loop3A_213], %parallel_loop3A_216 {strides = array<i32>} : memref<160x128xf32, #tpu.memory_space<vmem>>, vector<1x16xf32>,
      } {sc.loop_unroll_factor = 2 : i64, sc.parallel_access}
      %mul3A_46 = arith.constant 160 : i32
      %mul3A_47 = arith.muli %mul3A_24, %mul3A_46 : i32
      %add3A_48 = arith.addi %mul3A_2, %mul3A_47 : i32
      %dma_start3A_49 = arith.constant 0 : i32
      %dma_start3A_50 = tpu.memref_slice %arg5[%add3A_48, %dma_start3A_49] : memref<819200x128xf32, #tpu.memory_space<hbm>> -> memref<160x128xf32, #tpu.memory_space<hbm>>
      %dma_start3A_51 = arith.constant 0 : i32
      %dma_start3A_52 = tpu.memref_slice %arg5[%add3A_48, %dma_start3A_51] : memref<819200x128xf32, #tpu.memory_space<hbm>> -> memref<160x128xf32, #tpu.memory_space<hbm>>
      tpu.enqueue_dma source(%arg12 : memref<160x128xf32, #tpu.memory_space<vmem>>) target(%dma_start3A_52 : memref<160x128xf32, #tpu.memory_space<hbm>>) target_semaphore(%arg18 : memref<!tpu.dma_semaphore, #tpu.memory_space<semaphore_mem>>)
      %lt3A = arith.constant 79 : i32
      %lt3A_53 = arith.cmpi slt, %scan3A_22, %lt3A : i32
      %convert_element_type3A_54 = arith.extui %lt3A_53 : i1 to i32
      %cond3A_55 = arith.constant 0 : i32
      %cond3A_56 = arith.cmpi ne, %convert_element_type3A_54, %cond3A_55 : i32
      scf.if %cond3A_56 {
        %add3A_80 = arith.constant 2 : i32
        %add3A_81 = arith.addi %mul3A_24, %add3A_80 : i32
        %mul3A_82 = arith.constant 160 : i32
        %mul3A_83 = arith.muli %add3A_81, %mul3A_82 : i32
        %add3A_84 = arith.addi %mul3A_2, %mul3A_83 : i32
        "tpu.region"() ({
          %run_scoped3A = tpu.sem_alloc : memref<!tpu.dma_semaphore, #tpu.memory_space<semaphore_mem>>
          %dma_start3A_91 = tpu.memref_slice %arg3[%add3A_84] : memref<819200xi32, #tpu.memory_space<hbm>> -> memref<160xi32, #tpu.memory_space<hbm>>
          %dma_start3A_92 = tpu.memref_slice %arg3[%add3A_84] : memref<819200xi32, #tpu.memory_space<hbm>> -> memref<160xi32, #tpu.memory_space<hbm>>
          tpu.enqueue_dma source(%dma_start3A_92 : memref<160xi32, #tpu.memory_space<hbm>>) target(%arg6 : memref<160xi32, #tpu.memory_space<vmem>>) target_semaphore(%run_scoped3A : memref<!tpu.dma_semaphore, #tpu.memory_space<semaphore_mem>>)
          %dma_wait3A_93 = tpu.memref_slice %arg3[%add3A_84] : memref<819200xi32, #tpu.memory_space<hbm>> -> memref<160xi32, #tpu.memory_space<hbm>>
          %dma_wait3A_94 = tpu.memref_slice %arg3[%add3A_84] : memref<819200xi32, #tpu.memory_space<hbm>> -> memref<160xi32, #tpu.memory_space<hbm>>
          tpu.wait_dma2 semaphore(%run_scoped3A : memref<!tpu.dma_semaphore, #tpu.memory_space<semaphore_mem>>) src(%dma_wait3A_94 : memref<160xi32, #tpu.memory_space<hbm>>) dst(%arg6 : memref<160xi32, #tpu.memory_space<vmem>>)
          tpu.yield
        }) : () -> ()
        "tpu.region"() ({
          %run_scoped3A = tpu.sem_alloc : memref<!tpu.dma_semaphore, #tpu.memory_space<semaphore_mem>>
          %dma_start3A_91 = tpu.memref_slice %arg4[%add3A_84] : memref<819200xi32, #tpu.memory_space<hbm>> -> memref<160xi32, #tpu.memory_space<hbm>>
          %dma_start3A_92 = tpu.memref_slice %arg4[%add3A_84] : memref<819200xi32, #tpu.memory_space<hbm>> -> memref<160xi32, #tpu.memory_space<hbm>>
          tpu.enqueue_dma source(%dma_start3A_92 : memref<160xi32, #tpu.memory_space<hbm>>) target(%arg7 : memref<160xi32, #tpu.memory_space<vmem>>) target_semaphore(%run_scoped3A : memref<!tpu.dma_semaphore, #tpu.memory_space<semaphore_mem>>)
          %dma_wait3A_93 = tpu.memref_slice %arg4[%add3A_84] : memref<819200xi32, #tpu.memory_space<hbm>> -> memref<160xi32, #tpu.memory_space<hbm>>
          %dma_wait3A_94 = tpu.memref_slice %arg4[%add3A_84] : memref<819200xi32, #tpu.memory_space<hbm>> -> memref<160xi32, #tpu.memory_space<hbm>>
          tpu.wait_dma2 semaphore(%run_scoped3A : memref<!tpu.dma_semaphore, #tpu.memory_space<semaphore_mem>>) src(%dma_wait3A_94 : memref<160xi32, #tpu.memory_space<hbm>>) dst(%arg7 : memref<160xi32, #tpu.memory_space<vmem>>)
          tpu.yield
        }) : () -> ()
        %dma_start3A_85 = arith.constant 0 : i32
        %dma_start3A_86 = arith.constant 0 : i32
        %dma_start3A_87 = tpu.memref_slice %arg2[%dma_start3A_85, %dma_start3A_86] : memref<100000x128xf32, #tpu.memory_space<hbm>> -> memref<100000x128xf32, #tpu.memory_space<hbm>>
        tpu.enqueue_indirect_dma source(%dma_start3A_87 : memref<100000x128xf32, #tpu.memory_space<hbm>>) target(%arg10 : memref<160x128xf32, #tpu.memory_space<vmem>>) offsets(%arg6 : memref<160xi32, #tpu.memory_space<vmem>>) semaphore(%arg16 : memref<!tpu.dma_semaphore, #tpu.memory_space<semaphore_mem>>)
        %dma_start3A_88 = arith.constant 0 : i32
        %dma_start3A_89 = arith.constant 0 : i32
        %dma_start3A_90 = tpu.memref_slice %arg2[%dma_start3A_88, %dma_start3A_89] : memref<100000x128xf32, #tpu.memory_space<hbm>> -> memref<100000x128xf32, #tpu.memory_space<hbm>>
        tpu.enqueue_indirect_dma source(%dma_start3A_90 : memref<100000x128xf32, #tpu.memory_space<hbm>>) target(%arg11 : memref<160x128xf32, #tpu.memory_space<vmem>>) offsets(%arg7 : memref<160xi32, #tpu.memory_space<vmem>>) semaphore(%arg16 : memref<!tpu.dma_semaphore, #tpu.memory_space<semaphore_mem>>)
      } else {
      }
      %dma_wait3A_57 = arith.constant 0 : i32
      %dma_wait3A_58 = arith.constant 0 : i32
      %dma_wait3A_59 = tpu.memref_slice %arg2[%dma_wait3A_57, %dma_wait3A_58] : memref<100000x128xf32, #tpu.memory_space<hbm>> -> memref<100000x128xf32, #tpu.memory_space<hbm>>
      tpu.wait_indirect_dma semaphore(%arg17 : memref<!tpu.dma_semaphore, #tpu.memory_space<semaphore_mem>>) src(%dma_wait3A_59 : memref<100000x128xf32, #tpu.memory_space<hbm>>) dst(%arg13 : memref<160x128xf32, #tpu.memory_space<vmem>>)
      %dma_wait3A_60 = arith.constant 0 : i32
      %dma_wait3A_61 = arith.constant 0 : i32
      %dma_wait3A_62 = tpu.memref_slice %arg2[%dma_wait3A_60, %dma_wait3A_61] : memref<100000x128xf32, #tpu.memory_space<hbm>> -> memref<100000x128xf32, #tpu.memory_space<hbm>>
      tpu.wait_indirect_dma semaphore(%arg17 : memref<!tpu.dma_semaphore, #tpu.memory_space<semaphore_mem>>) src(%dma_wait3A_62 : memref<100000x128xf32, #tpu.memory_space<hbm>>) dst(%arg14 : memref<160x128xf32, #tpu.memory_space<vmem>>)
      %gt3A_63 = arith.constant 0 : i32
      %gt3A_64 = arith.cmpi sgt, %scan3A_22, %gt3A_63 : i32
      %convert_element_type3A_65 = arith.extui %gt3A_64 : i1 to i32
      %cond3A_66 = arith.constant 0 : i32
      %cond3A_67 = arith.cmpi ne, %convert_element_type3A_65, %cond3A_66 : i32
      scf.if %cond3A_67 {
        %dma_wait3A_80 = arith.constant 0 : i32
        %dma_wait3A_81 = tpu.memref_slice %arg5[%mul3A_2, %dma_wait3A_80] : memref<819200x128xf32, #tpu.memory_space<hbm>> -> memref<160x128xf32, #tpu.memory_space<hbm>>
        %dma_wait3A_82 = arith.constant 0 : i32
        %dma_wait3A_83 = tpu.memref_slice %arg5[%mul3A_2, %dma_wait3A_82] : memref<819200x128xf32, #tpu.memory_space<hbm>> -> memref<160x128xf32, #tpu.memory_space<hbm>>
        tpu.wait_dma2 semaphore(%arg19 : memref<!tpu.dma_semaphore, #tpu.memory_space<semaphore_mem>>) src(%arg15 : memref<160x128xf32, #tpu.memory_space<vmem>>) dst(%dma_wait3A_83 : memref<160x128xf32, #tpu.memory_space<hbm>>)
      } else {
      }
      %parallel_loop3A_68 = arith.constant 0 : i32
      %parallel_loop3A_69 = arith.constant 160 : i32
      %parallel_loop3A_70 = arith.constant 1 : i32
      scf.for %parallel_loop3A_80 = %parallel_loop3A_68 to %parallel_loop3A_69 step %parallel_loop3A_70  : i32 {
        %parallel_loop3A_81 = arith.index_cast %parallel_loop3A_80 : i32 to index
        %parallel_loop3A_82 = arith.constant 0 : index
        %parallel_loop3A_83 = tpu.vector_load %arg13[%parallel_loop3A_81, %parallel_loop3A_82] {strides = array<i32>} : memref<160x128xf32, #tpu.memory_space<vmem>>, vector<1x16xf32>,
        %parallel_loop3A_84 = vector.shape_cast %parallel_loop3A_83 : vector<1x16xf32> to vector<16xf32>
        %parallel_loop3A_85 = arith.constant 11.3137083 : f32
        %parallel_loop3A_86 = vector.broadcast %parallel_loop3A_85 : f32 to vector<16xf32>
        %parallel_loop3A_87 = arith.mulf %parallel_loop3A_84, %parallel_loop3A_86 : vector<16xf32>
        %parallel_loop3A_88 = arith.index_cast %parallel_loop3A_80 : i32 to index
        %parallel_loop3A_89 = arith.constant 0 : index
        %parallel_loop3A_90 = tpu.vector_load %arg14[%parallel_loop3A_88, %parallel_loop3A_89] {strides = array<i32>} : memref<160x128xf32, #tpu.memory_space<vmem>>, vector<1x16xf32>,
        %parallel_loop3A_91 = vector.shape_cast %parallel_loop3A_90 : vector<1x16xf32> to vector<16xf32>
        %parallel_loop3A_92 = arith.addf %parallel_loop3A_87, %parallel_loop3A_91 : vector<16xf32>
        %parallel_loop3A_93 = arith.index_cast %parallel_loop3A_80 : i32 to index
        %parallel_loop3A_94 = arith.constant 0 : index
        %parallel_loop3A_95 = tpu.vector_load %arg15[%parallel_loop3A_93, %parallel_loop3A_94] {strides = array<i32>} : memref<160x128xf32, #tpu.memory_space<vmem>>, vector<1x16xf32>,
        %parallel_loop3A_96 = vector.shape_cast %parallel_loop3A_95 : vector<1x16xf32> to vector<16xf32>
        %parallel_loop3A_97 = vector.shape_cast %parallel_loop3A_92 : vector<16xf32> to vector<1x16xf32>
        tpu.vector_store %arg15[%parallel_loop3A_93, %parallel_loop3A_94], %parallel_loop3A_97 {strides = array<i32>} : memref<160x128xf32, #tpu.memory_space<vmem>>, vector<1x16xf32>,
        %parallel_loop3A_98 = arith.index_cast %parallel_loop3A_80 : i32 to index
        %parallel_loop3A_99 = arith.constant 16 : index
        %parallel_loop3A_100 = tpu.vector_load %arg13[%parallel_loop3A_98, %parallel_loop3A_99] {strides = array<i32>} : memref<160x128xf32, #tpu.memory_space<vmem>>, vector<1x16xf32>,
        %parallel_loop3A_101 = vector.shape_cast %parallel_loop3A_100 : vector<1x16xf32> to vector<16xf32>
        %parallel_loop3A_102 = arith.constant 11.3137083 : f32
        %parallel_loop3A_103 = vector.broadcast %parallel_loop3A_102 : f32 to vector<16xf32>
        %parallel_loop3A_104 = arith.mulf %parallel_loop3A_101, %parallel_loop3A_103 : vector<16xf32>
        %parallel_loop3A_105 = arith.index_cast %parallel_loop3A_80 : i32 to index
        %parallel_loop3A_106 = arith.constant 16 : index
        %parallel_loop3A_107 = tpu.vector_load %arg14[%parallel_loop3A_105, %parallel_loop3A_106] {strides = array<i32>} : memref<160x128xf32, #tpu.memory_space<vmem>>, vector<1x16xf32>,
        %parallel_loop3A_108 = vector.shape_cast %parallel_loop3A_107 : vector<1x16xf32> to vector<16xf32>
        %parallel_loop3A_109 = arith.addf %parallel_loop3A_104, %parallel_loop3A_108 : vector<16xf32>
        %parallel_loop3A_110 = arith.index_cast %parallel_loop3A_80 : i32 to index
        %parallel_loop3A_111 = arith.constant 16 : index
        %parallel_loop3A_112 = tpu.vector_load %arg15[%parallel_loop3A_110, %parallel_loop3A_111] {strides = array<i32>} : memref<160x128xf32, #tpu.memory_space<vmem>>, vector<1x16xf32>,
        %parallel_loop3A_113 = vector.shape_cast %parallel_loop3A_112 : vector<1x16xf32> to vector<16xf32>
        %parallel_loop3A_114 = vector.shape_cast %parallel_loop3A_109 : vector<16xf32> to vector<1x16xf32>
        tpu.vector_store %arg15[%parallel_loop3A_110, %parallel_loop3A_111], %parallel_loop3A_114 {strides = array<i32>} : memref<160x128xf32, #tpu.memory_space<vmem>>, vector<1x16xf32>,
        %parallel_loop3A_115 = arith.index_cast %parallel_loop3A_80 : i32 to index
        %parallel_loop3A_116 = arith.constant 32 : index
        %parallel_loop3A_117 = tpu.vector_load %arg13[%parallel_loop3A_115, %parallel_loop3A_116] {strides = array<i32>} : memref<160x128xf32, #tpu.memory_space<vmem>>, vector<1x16xf32>,
        %parallel_loop3A_118 = vector.shape_cast %parallel_loop3A_117 : vector<1x16xf32> to vector<16xf32>
        %parallel_loop3A_119 = arith.constant 11.3137083 : f32
        %parallel_loop3A_120 = vector.broadcast %parallel_loop3A_119 : f32 to vector<16xf32>
        %parallel_loop3A_121 = arith.mulf %parallel_loop3A_118, %parallel_loop3A_120 : vector<16xf32>
        %parallel_loop3A_122 = arith.index_cast %parallel_loop3A_80 : i32 to index
        %parallel_loop3A_123 = arith.constant 32 : index
        %parallel_loop3A_124 = tpu.vector_load %arg14[%parallel_loop3A_122, %parallel_loop3A_123] {strides = array<i32>} : memref<160x128xf32, #tpu.memory_space<vmem>>, vector<1x16xf32>,
        %parallel_loop3A_125 = vector.shape_cast %parallel_loop3A_124 : vector<1x16xf32> to vector<16xf32>
        %parallel_loop3A_126 = arith.addf %parallel_loop3A_121, %parallel_loop3A_125 : vector<16xf32>
        %parallel_loop3A_127 = arith.index_cast %parallel_loop3A_80 : i32 to index
        %parallel_loop3A_128 = arith.constant 32 : index
        %parallel_loop3A_129 = tpu.vector_load %arg15[%parallel_loop3A_127, %parallel_loop3A_128] {strides = array<i32>} : memref<160x128xf32, #tpu.memory_space<vmem>>, vector<1x16xf32>,
        %parallel_loop3A_130 = vector.shape_cast %parallel_loop3A_129 : vector<1x16xf32> to vector<16xf32>
        %parallel_loop3A_131 = vector.shape_cast %parallel_loop3A_126 : vector<16xf32> to vector<1x16xf32>
        tpu.vector_store %arg15[%parallel_loop3A_127, %parallel_loop3A_128], %parallel_loop3A_131 {strides = array<i32>} : memref<160x128xf32, #tpu.memory_space<vmem>>, vector<1x16xf32>,
        %parallel_loop3A_132 = arith.index_cast %parallel_loop3A_80 : i32 to index
        %parallel_loop3A_133 = arith.constant 48 : index
        %parallel_loop3A_134 = tpu.vector_load %arg13[%parallel_loop3A_132, %parallel_loop3A_133] {strides = array<i32>} : memref<160x128xf32, #tpu.memory_space<vmem>>, vector<1x16xf32>,
        %parallel_loop3A_135 = vector.shape_cast %parallel_loop3A_134 : vector<1x16xf32> to vector<16xf32>
        %parallel_loop3A_136 = arith.constant 11.3137083 : f32
        %parallel_loop3A_137 = vector.broadcast %parallel_loop3A_136 : f32 to vector<16xf32>
        %parallel_loop3A_138 = arith.mulf %parallel_loop3A_135, %parallel_loop3A_137 : vector<16xf32>
        %parallel_loop3A_139 = arith.index_cast %parallel_loop3A_80 : i32 to index
        %parallel_loop3A_140 = arith.constant 48 : index
        %parallel_loop3A_141 = tpu.vector_load %arg14[%parallel_loop3A_139, %parallel_loop3A_140] {strides = array<i32>} : memref<160x128xf32, #tpu.memory_space<vmem>>, vector<1x16xf32>,
        %parallel_loop3A_142 = vector.shape_cast %parallel_loop3A_141 : vector<1x16xf32> to vector<16xf32>
        %parallel_loop3A_143 = arith.addf %parallel_loop3A_138, %parallel_loop3A_142 : vector<16xf32>
        %parallel_loop3A_144 = arith.index_cast %parallel_loop3A_80 : i32 to index
        %parallel_loop3A_145 = arith.constant 48 : index
        %parallel_loop3A_146 = tpu.vector_load %arg15[%parallel_loop3A_144, %parallel_loop3A_145] {strides = array<i32>} : memref<160x128xf32, #tpu.memory_space<vmem>>, vector<1x16xf32>,
        %parallel_loop3A_147 = vector.shape_cast %parallel_loop3A_146 : vector<1x16xf32> to vector<16xf32>
        %parallel_loop3A_148 = vector.shape_cast %parallel_loop3A_143 : vector<16xf32> to vector<1x16xf32>
        tpu.vector_store %arg15[%parallel_loop3A_144, %parallel_loop3A_145], %parallel_loop3A_148 {strides = array<i32>} : memref<160x128xf32, #tpu.memory_space<vmem>>, vector<1x16xf32>,
        %parallel_loop3A_149 = arith.index_cast %parallel_loop3A_80 : i32 to index
        %parallel_loop3A_150 = arith.constant 64 : index
        %parallel_loop3A_151 = tpu.vector_load %arg13[%parallel_loop3A_149, %parallel_loop3A_150] {strides = array<i32>} : memref<160x128xf32, #tpu.memory_space<vmem>>, vector<1x16xf32>,
        %parallel_loop3A_152 = vector.shape_cast %parallel_loop3A_151 : vector<1x16xf32> to vector<16xf32>
        %parallel_loop3A_153 = arith.constant 11.3137083 : f32
        %parallel_loop3A_154 = vector.broadcast %parallel_loop3A_153 : f32 to vector<16xf32>
        %parallel_loop3A_155 = arith.mulf %parallel_loop3A_152, %parallel_loop3A_154 : vector<16xf32>
        %parallel_loop3A_156 = arith.index_cast %parallel_loop3A_80 : i32 to index
        %parallel_loop3A_157 = arith.constant 64 : index
        %parallel_loop3A_158 = tpu.vector_load %arg14[%parallel_loop3A_156, %parallel_loop3A_157] {strides = array<i32>} : memref<160x128xf32, #tpu.memory_space<vmem>>, vector<1x16xf32>,
        %parallel_loop3A_159 = vector.shape_cast %parallel_loop3A_158 : vector<1x16xf32> to vector<16xf32>
        %parallel_loop3A_160 = arith.addf %parallel_loop3A_155, %parallel_loop3A_159 : vector<16xf32>
        %parallel_loop3A_161 = arith.index_cast %parallel_loop3A_80 : i32 to index
        %parallel_loop3A_162 = arith.constant 64 : index
        %parallel_loop3A_163 = tpu.vector_load %arg15[%parallel_loop3A_161, %parallel_loop3A_162] {strides = array<i32>} : memref<160x128xf32, #tpu.memory_space<vmem>>, vector<1x16xf32>,
        %parallel_loop3A_164 = vector.shape_cast %parallel_loop3A_163 : vector<1x16xf32> to vector<16xf32>
        %parallel_loop3A_165 = vector.shape_cast %parallel_loop3A_160 : vector<16xf32> to vector<1x16xf32>
        tpu.vector_store %arg15[%parallel_loop3A_161, %parallel_loop3A_162], %parallel_loop3A_165 {strides = array<i32>} : memref<160x128xf32, #tpu.memory_space<vmem>>, vector<1x16xf32>,
        %parallel_loop3A_166 = arith.index_cast %parallel_loop3A_80 : i32 to index
        %parallel_loop3A_167 = arith.constant 80 : index
        %parallel_loop3A_168 = tpu.vector_load %arg13[%parallel_loop3A_166, %parallel_loop3A_167] {strides = array<i32>} : memref<160x128xf32, #tpu.memory_space<vmem>>, vector<1x16xf32>,
        %parallel_loop3A_169 = vector.shape_cast %parallel_loop3A_168 : vector<1x16xf32> to vector<16xf32>
        %parallel_loop3A_170 = arith.constant 11.3137083 : f32
        %parallel_loop3A_171 = vector.broadcast %parallel_loop3A_170 : f32 to vector<16xf32>
        %parallel_loop3A_172 = arith.mulf %parallel_loop3A_169, %parallel_loop3A_171 : vector<16xf32>
        %parallel_loop3A_173 = arith.index_cast %parallel_loop3A_80 : i32 to index
        %parallel_loop3A_174 = arith.constant 80 : index
        %parallel_loop3A_175 = tpu.vector_load %arg14[%parallel_loop3A_173, %parallel_loop3A_174] {strides = array<i32>} : memref<160x128xf32, #tpu.memory_space<vmem>>, vector<1x16xf32>,
        %parallel_loop3A_176 = vector.shape_cast %parallel_loop3A_175 : vector<1x16xf32> to vector<16xf32>
        %parallel_loop3A_177 = arith.addf %parallel_loop3A_172, %parallel_loop3A_176 : vector<16xf32>
        %parallel_loop3A_178 = arith.index_cast %parallel_loop3A_80 : i32 to index
        %parallel_loop3A_179 = arith.constant 80 : index
        %parallel_loop3A_180 = tpu.vector_load %arg15[%parallel_loop3A_178, %parallel_loop3A_179] {strides = array<i32>} : memref<160x128xf32, #tpu.memory_space<vmem>>, vector<1x16xf32>,
        %parallel_loop3A_181 = vector.shape_cast %parallel_loop3A_180 : vector<1x16xf32> to vector<16xf32>
        %parallel_loop3A_182 = vector.shape_cast %parallel_loop3A_177 : vector<16xf32> to vector<1x16xf32>
        tpu.vector_store %arg15[%parallel_loop3A_178, %parallel_loop3A_179], %parallel_loop3A_182 {strides = array<i32>} : memref<160x128xf32, #tpu.memory_space<vmem>>, vector<1x16xf32>,
        %parallel_loop3A_183 = arith.index_cast %parallel_loop3A_80 : i32 to index
        %parallel_loop3A_184 = arith.constant 96 : index
        %parallel_loop3A_185 = tpu.vector_load %arg13[%parallel_loop3A_183, %parallel_loop3A_184] {strides = array<i32>} : memref<160x128xf32, #tpu.memory_space<vmem>>, vector<1x16xf32>,
        %parallel_loop3A_186 = vector.shape_cast %parallel_loop3A_185 : vector<1x16xf32> to vector<16xf32>
        %parallel_loop3A_187 = arith.constant 11.3137083 : f32
        %parallel_loop3A_188 = vector.broadcast %parallel_loop3A_187 : f32 to vector<16xf32>
        %parallel_loop3A_189 = arith.mulf %parallel_loop3A_186, %parallel_loop3A_188 : vector<16xf32>
        %parallel_loop3A_190 = arith.index_cast %parallel_loop3A_80 : i32 to index
        %parallel_loop3A_191 = arith.constant 96 : index
        %parallel_loop3A_192 = tpu.vector_load %arg14[%parallel_loop3A_190, %parallel_loop3A_191] {strides = array<i32>} : memref<160x128xf32, #tpu.memory_space<vmem>>, vector<1x16xf32>,
        %parallel_loop3A_193 = vector.shape_cast %parallel_loop3A_192 : vector<1x16xf32> to vector<16xf32>
        %parallel_loop3A_194 = arith.addf %parallel_loop3A_189, %parallel_loop3A_193 : vector<16xf32>
        %parallel_loop3A_195 = arith.index_cast %parallel_loop3A_80 : i32 to index
        %parallel_loop3A_196 = arith.constant 96 : index
        %parallel_loop3A_197 = tpu.vector_load %arg15[%parallel_loop3A_195, %parallel_loop3A_196] {strides = array<i32>} : memref<160x128xf32, #tpu.memory_space<vmem>>, vector<1x16xf32>,
        %parallel_loop3A_198 = vector.shape_cast %parallel_loop3A_197 : vector<1x16xf32> to vector<16xf32>
        %parallel_loop3A_199 = vector.shape_cast %parallel_loop3A_194 : vector<16xf32> to vector<1x16xf32>
        tpu.vector_store %arg15[%parallel_loop3A_195, %parallel_loop3A_196], %parallel_loop3A_199 {strides = array<i32>} : memref<160x128xf32, #tpu.memory_space<vmem>>, vector<1x16xf32>,
        %parallel_loop3A_200 = arith.index_cast %parallel_loop3A_80 : i32 to index
        %parallel_loop3A_201 = arith.constant 112 : index
        %parallel_loop3A_202 = tpu.vector_load %arg13[%parallel_loop3A_200, %parallel_loop3A_201] {strides = array<i32>} : memref<160x128xf32, #tpu.memory_space<vmem>>, vector<1x16xf32>,
        %parallel_loop3A_203 = vector.shape_cast %parallel_loop3A_202 : vector<1x16xf32> to vector<16xf32>
        %parallel_loop3A_204 = arith.constant 11.3137083 : f32
        %parallel_loop3A_205 = vector.broadcast %parallel_loop3A_204 : f32 to vector<16xf32>
        %parallel_loop3A_206 = arith.mulf %parallel_loop3A_203, %parallel_loop3A_205 : vector<16xf32>
        %parallel_loop3A_207 = arith.index_cast %parallel_loop3A_80 : i32 to index
        %parallel_loop3A_208 = arith.constant 112 : index
        %parallel_loop3A_209 = tpu.vector_load %arg14[%parallel_loop3A_207, %parallel_loop3A_208] {strides = array<i32>} : memref<160x128xf32, #tpu.memory_space<vmem>>, vector<1x16xf32>,
        %parallel_loop3A_210 = vector.shape_cast %parallel_loop3A_209 : vector<1x16xf32> to vector<16xf32>
        %parallel_loop3A_211 = arith.addf %parallel_loop3A_206, %parallel_loop3A_210 : vector<16xf32>
        %parallel_loop3A_212 = arith.index_cast %parallel_loop3A_80 : i32 to index
        %parallel_loop3A_213 = arith.constant 112 : index
        %parallel_loop3A_214 = tpu.vector_load %arg15[%parallel_loop3A_212, %parallel_loop3A_213] {strides = array<i32>} : memref<160x128xf32, #tpu.memory_space<vmem>>, vector<1x16xf32>,
        %parallel_loop3A_215 = vector.shape_cast %parallel_loop3A_214 : vector<1x16xf32> to vector<16xf32>
        %parallel_loop3A_216 = vector.shape_cast %parallel_loop3A_211 : vector<16xf32> to vector<1x16xf32>
        tpu.vector_store %arg15[%parallel_loop3A_212, %parallel_loop3A_213], %parallel_loop3A_216 {strides = array<i32>} : memref<160x128xf32, #tpu.memory_space<vmem>>, vector<1x16xf32>,
      } {sc.loop_unroll_factor = 2 : i64, sc.parallel_access}
      %add3A_71 = arith.constant 1 : i32
      %add3A_72 = arith.addi %mul3A_24, %add3A_71 : i32
      %mul3A_73 = arith.constant 160 : i32
      %mul3A_74 = arith.muli %add3A_72, %mul3A_73 : i32
      %add3A_75 = arith.addi %mul3A_2, %mul3A_74 : i32
      %dma_start3A_76 = arith.constant 0 : i32
      %dma_start3A_77 = tpu.memref_slice %arg5[%add3A_75, %dma_start3A_76] : memref<819200x128xf32, #tpu.memory_space<hbm>> -> memref<160x128xf32, #tpu.memory_space<hbm>>
      %dma_start3A_78 = arith.constant 0 : i32
      %dma_start3A_79 = tpu.memref_slice %arg5[%add3A_75, %dma_start3A_78] : memref<819200x128xf32, #tpu.memory_space<hbm>> -> memref<160x128xf32, #tpu.memory_space<hbm>>
      tpu.enqueue_dma source(%arg15 : memref<160x128xf32, #tpu.memory_space<vmem>>) target(%dma_start3A_79 : memref<160x128xf32, #tpu.memory_space<hbm>>) target_semaphore(%arg19 : memref<!tpu.dma_semaphore, #tpu.memory_space<semaphore_mem>>)
    }
    %scan3A_14 = arith.constant 80 : i32
    %dma_wait3A = arith.constant 0 : i32
    %dma_wait3A_15 = tpu.memref_slice %arg5[%mul3A_2, %dma_wait3A] : memref<819200x128xf32, #tpu.memory_space<hbm>> -> memref<160x128xf32, #tpu.memory_space<hbm>>
    %dma_wait3A_16 = arith.constant 0 : i32
    %dma_wait3A_17 = tpu.memref_slice %arg5[%mul3A_2, %dma_wait3A_16] : memref<819200x128xf32, #tpu.memory_space<hbm>> -> memref<160x128xf32, #tpu.memory_space<hbm>>
    tpu.wait_dma2 semaphore(%arg18 : memref<!tpu.dma_semaphore, #tpu.memory_space<semaphore_mem>>) src(%arg12 : memref<160x128xf32, #tpu.memory_space<vmem>>) dst(%dma_wait3A_17 : memref<160x128xf32, #tpu.memory_space<hbm>>)
    %dma_wait3A_18 = arith.constant 0 : i32
    %dma_wait3A_19 = tpu.memref_slice %arg5[%mul3A_2, %dma_wait3A_18] : memref<819200x128xf32, #tpu.memory_space<hbm>> -> memref<160x128xf32, #tpu.memory_space<hbm>>
    %dma_wait3A_20 = arith.constant 0 : i32
    %dma_wait3A_21 = tpu.memref_slice %arg5[%mul3A_2, %dma_wait3A_20] : memref<819200x128xf32, #tpu.memory_space<hbm>> -> memref<160x128xf32, #tpu.memory_space<hbm>>
    tpu.wait_dma2 semaphore(%arg19 : memref<!tpu.dma_semaphore, #tpu.memory_space<semaphore_mem>>) src(%arg15 : memref<160x128xf32, #tpu.memory_space<vmem>>) dst(%dma_wait3A_21 : memref<160x128xf32, #tpu.memory_space<hbm>>)
    return
  }
}

</mosaic_0001>

<sc_bundles>
// kernel: kernel.3.cloned.1.call-start
scs
__scs_entry_jumppad:
0x0: {  	(pc) =	sbr.rel $0x88, $3  }
0x1: {  	(tag) =	ssettag $0x0;
	lr =	simm.s32 $0x1  }
0x2: {  	[smem:$0x3F9E] =	sst lr;
	_ =	strace $0xD0000000  }
0x3: {  	_ = 	snop  }
0x4: {  	_ = 	snop  }
0x5: {  	_ = 	snop  }
0x6: {  	_ = 	snop  }
0x7: {  	_ = 	snop  }
__scs_overlays_trampoline_lowered:
0x8: {  	[smem:$0x3FAD] =	sst s0  }
0x9: {  	[smem:$0x3FAE] =	sst s1  }
0xa: {  	[smem:$0x3FAF] =	sst s2  }
0xb: {  	[smem:$0x3FB0] =	sst s3  }
0xc: {  	[smem:$0x3FB1] =	sst s4  }
0xd: {  	[smem:$0x3FB2] =	sst s5  }
0xe: {  	[smem:$0x3FB3] =	sst s6  }
0xf: {  	[smem:$0x3FB4] =	sst s7  }
0x10: {  	[smem:$0x3FB5] =	sst s8  }
0x11: {  	[smem:$0x3FB6] =	sst s9;
	s0 =	simm.s32 @!p0 $0x0  }
0x12: {  	s1 =	sld [smem:$0x3F9C];
	s0 =	simm.s32 @p0 $0x1  }
0x13: {  	[smem:$0x3FB7] =	sst s0;
	s0 =	simm.s32 @!p1 $0x0  }
0x14: {  	s2 =	sld [smem:$0x3F9B];
	s0 =	simm.s32 @p1 $0x1  }
0x15: {  	[smem:$0x3FB8] =	sst s0;
	s0 =	simm.s32 @!p2 $0x0  }
0x16: {  	s3 =	sld [smem:$0x3FDB];
	s0 =	simm.s32 @p2 $0x1  }
0x17: {  	s4 =	simm.s32 $0x1BF5;
	[smem:$0x3FBA] =	sst s0  }
0x18: {  	s0 =	sld [smem:$0x3F9D];
	_ =	swait.ge [sflag:s4], $0x0  }
0x19: {  	s7 =	sld [smem:$0x3F9E]  }
0x1a: {  	s8 =	sadd.s32 $0xFFFFE003, lr  }
0x1b: {  	s9 =	sadd.s32 $0xFFFFFEF7, lr;
	s5 =	simm.s32 $0xFFFFFFFF;
	p2 =	slt.u32 s8, $0xFFFFF086  }
0x1c: {  	p1 =	slt.u32 s9, $0xF7A;
	s5 =	simm.s32 @!p2 $0x0  }
0x1d: {  	s5 =	simm.s32 @p1 $0x1;
	p0 =	seq.s32 s7, s2  }
0x1e: {  	s7 =	smul.u32 @!p0 $0xF7A, s2;
	p2 =	seq.s32 @!p0 s5, $0x0  }
0x1f: {  	s9 =	smul.u32 $0xF7A, s1;
	s8 =	simm.s32 @!p0 $0x1BF5;
	p2 =	por !p2, p0  }
0x20: {  	[sflag:s8] =	ssyncset.s32 @!p0 $0xFFFFF086;
	s6 =	sadd.s32 @!p0 s3, s7;
	s7 =	simm.s32 @!p0 $0x108  }
0x21: {  	s3 =	sadd.s32 s3, s9;
	s6 =	sadd.s32 @!p0 $0x88, s6;
	s7 =	simm.s32 @p2 $0x1082  }
0x22: {  	[simem:s7], [sflag:s8] =	dma.local @!p0 [hbm:s6], $0xF7A  }
0x23: {  	s9 =	sor.u32 $0xD0000000, s2;
	s6 =	simm.s32 $0x108;
	_ =	swait.ge @!p0 [sflag:s8], $0x0  }
0x24: {  	s3 =	sadd.s32 $0x88, s3;
	s6 =	simm.s32 @!p1 $0x1082;
	[sflag:s4] =	ssyncset.s32 $0xFFFFF086  }
0x25: {  	[simem:s6], [sflag:s4] =	dma.local [hbm:s3], $0xF7A  }
0x26: {  	[smem:$0x3F9E] =	sst s1;
	(tag) =	ssettag s2;
	_ =	strace s9  }
0x27: {  	s1 =	sld [smem:$0x3FAE]  }
0x28: {  	s2 =	sld [smem:$0x3FAF]  }
0x29: {  	s4 =	sld [smem:$0x3FB1]  }
0x2a: {  	p0 =	seq.s32 s5, $0x0;
	s5 =	sld [smem:$0x3FB2]  }
0x2b: {  	s6 =	sld [smem:$0x3FB3]  }
0x2c: {  	s7 =	sld [smem:$0x3FB4]  }
0x2d: {  	s3 =	simm.s32 $0x108;
	s8 =	sld [smem:$0x3FB5]  }
0x2e: {  	s3 =	simm.s32 @!p0 $0x1082;
	s9 =	sld [smem:$0x3FB6]  }
0x2f: {  	lr =	sadd.s32 s0, s3;
	s0 =	sld [smem:$0x3FAD]  }
0x30: {  	s3 =	sld [smem:$0x3FB0]  }
0x31: {  	[smem:$0x3FB9] =	sst s10  }
0x32: {  	s10 =	sld [smem:$0x3FB7];
	_ =	sdelay $0x3  }
0x33: {  	p0 =	seq.s32 s10, $0x1;
	s10 =	sld [smem:$0x3FB9];
	_ =	sdelay $0x3  }
0x34: {  	[smem:$0x3FB9] =	sst s10  }
0x35: {  	s10 =	sld [smem:$0x3FB8];
	_ =	sdelay $0x3  }
0x36: {  	p1 =	seq.s32 s10, $0x1;
	s10 =	sld [smem:$0x3FB9];
	_ =	sdelay $0x3  }
0x37: {  	[smem:$0x3FB9] =	sst s10  }
0x38: {  	s10 =	sld [smem:$0x3FBA]  }
0x39: {  	_ = 	snop;
	(pc) =	sbr.ind lr, $3  }
0x3a: {  	_ = 	snop  }
0x3b: {  	_ = 	snop  }
0x3c: {  	p2 =	seq.s32 s10, $0x1;
	s10 =	sld [smem:$0x3FB9]  }
0x3d: {  	_ =	shalt  }
0x3e: {  	_ =	shalt  }
0x3f: {  	_ =	shalt  }
0x40: {  	_ =	shalt  }
0x41: {  	_ =	shalt  }
0x42: {  	_ =	shalt  }
0x43: {  	_ =	shalt  }
0x44: {  	_ =	shalt  }
0x45: {  	_ =	shalt  }
0x46: {  	_ =	shalt  }
0x47: {  	_ =	shalt  }
0x48: {  	_ =	shalt  }
0x49: {  	_ =	shalt  }
0x4a: {  	_ =	shalt  }
0x4b: {  	_ =	shalt  }
0x4c: {  	_ =	shalt  }
0x4d: {  	_ =	shalt  }
0x4e: {  	_ =	shalt  }
0x4f: {  	_ =	shalt  }
0x50: {  	_ =	shalt  }
0x51: {  	_ =	shalt  }
0x52: {  	_ =	shalt  }
0x53: {  	_ =	shalt  }
0x54: {  	_ =	shalt  }
0x55: {  	_ =	shalt  }
0x56: {  	_ =	shalt  }
0x57: {  	_ =	shalt  }
0x58: {  	_ =	shalt  }
0x59: {  	_ =	shalt  }
0x5a: {  	_ =	shalt  }
0x5b: {  	_ =	shalt  }
0x5c: {  	_ =	shalt  }
0x5d: {  	_ =	shalt  }
0x5e: {  	_ =	shalt  }
0x5f: {  	_ =	shalt  }
0x60: {  	_ =	shalt  }
0x61: {  	_ =	shalt  }
0x62: {  	_ =	shalt  }
0x63: {  	_ =	shalt  }
0x64: {  	_ =	shalt  }
0x65: {  	_ =	shalt  }
0x66: {  	_ =	shalt  }
0x67: {  	_ =	shalt  }
0x68: {  	_ =	shalt  }
0x69: {  	_ =	shalt  }
0x6a: {  	_ =	shalt  }
0x6b: {  	_ =	shalt  }
0x6c: {  	_ =	shalt  }
0x6d: {  	_ =	shalt  }
0x6e: {  	_ =	shalt  }
0x6f: {  	_ =	shalt  }
0x70: {  	_ =	shalt  }
0x71: {  	_ =	shalt  }
0x72: {  	_ =	shalt  }
0x73: {  	_ =	shalt  }
0x74: {  	_ =	shalt  }
0x75: {  	_ =	shalt  }
0x76: {  	_ =	shalt  }
0x77: {  	_ =	shalt  }
0x78: {  	_ =	shalt  }
0x79: {  	_ =	shalt  }
0x7a: {  	_ =	shalt  }
0x7b: {  	_ =	shalt  }
0x7c: {  	_ =	shalt  }
0x7d: {  	_ =	shalt  }
0x7e: {  	_ =	shalt  }
0x7f: {  	_ =	shalt  }
0x80: {  	_ =	shalt  }
0x81: {  	_ =	shalt  }
0x82: {  	_ =	shalt  }
0x83: {  	_ =	shalt  }
0x84: {  	_ =	shalt  }
0x85: {  	_ =	shalt  }
0x86: {  	_ =	shalt  }
0x87: {  	_ =	shalt  }
.Lfunc_end0:
.L_simem_size_0:
called_computation_lowered:
.L_overlay_start_0:
0x88: {  	s2 =	sld [smem:$0x3FD9]  }
0x89: {  	s3 =	sld [smem:$0x3FFE];
	_ =	sdelay $0x1  }
0x8a: {  	s1 =	srdreg.scid  }
0x8b: {  	s0 =	sand.u32 $0x1, s1  }
0x8c: {  	s17 =	sshll.u32 s0, $0xA;
	s2 =	sadd.s32 s3, s2  }
0x8d: {  	s2 =	sadd.s32 s2, s17  }
0x8e: {  	[smem:$0x3FC5] =	sst s2  }
0x8f: {  	_ = 	snop  }
0x90: {  	s2 =	sld [smem:$0x3FC7]  }
0x91: {  	s18 =	sld [smem:$0x3FD0];
	(tm) =	ssettm $0x1  }
0x92: {  	s4 =	sld [smem:$0x3FFB];
	_ =	sdelay $0x3  }
0x93: {  	_ =	strace s4  }
0x94: {  	s4 =	sld [smem:$0x3FFC];
	_ =	sdelay $0x3  }
0x95: {  	_ =	strace s4  }
0x96: {  	s4 =	sld [smem:$0x3FFD];
	_ =	sdelay $0x3  }
0x97: {  	_ =	strace s4  }
0x98: {  	_ =	strace $0x8FFFFFFF  }
0x99: {  	s19 =	sld [smem:$0x3FDB];
	_ =	sdelay $0x1  }
0x9a: {  	s5 =	simm.s32 $_scs_section_size  }
0x9b: {  	s6 =	simm.s32 $_size__tile_overlayer_lowered;
	s7 =	simm.s32 $_tile_overlayer_lowered  }
0x9c: {  	s22 =	simm.s32 $0x1BFF;
	s21 =	sshll.u32 s7, $0x1;
	s4 =	sadd.s32 s5, s19  }
0x9d: {  	s8 =	simm.s32 $0x0;
	s20 =	sshll.u32 s6, $0x1;
	s6 =	sadd.s32 s21, s4  }
0x9e: {  	[timem:s8], [sflag:s22] =	dma.local [hbm:s6], s20  }
0x9f: {  	_ =	swait.ge [sflag:s22], s20  }
0xa0: {  	s5 =	ssub.s32 $0x0, s20;
	[sflag:s22] =	ssyncset.done $0x0  }
0xa1: {  	[sflag:s22] =	ssyncadd.s32 s5;
	_ =	sdelay $0x1  }
0xa2: {  	s23 =	simm.s32 $0x1B8B  }
0xa3: {  	_ =	swait.ge [sflag:s23], $0x1  }
0xa4: {  	[sflag:s23] =	ssyncset.done $0x0  }
0xa5: {  	s25 =	simm.s32 $0x1B8E;
	s24 =	sld [smem:$0x3FFE];
	[sflag:s23] =	ssyncadd.s32 $0xFFFFFFFF  }
0xa6: {  	s26 =	simm.s32 $execute0_lowered;
	[smem:$0x3FD2] =	sst s25  }
0xa7: {  	s6 =	sshll.u32 s26, $0x1;
	_ =	strace $0x80000046;
	[dreg:$0x1] =	wrdreg $0xFFFFFFFF  }
0xa8: {  	s28 =	simm.s32 $_size_execute0_lowered;
	s4 =	sadd.s32 s4, s6;
	[dreg:$0x0] =	wrdreg $0x0  }
0xa9: {  	s6 =	sshll.u32 s28, $0x1;
	[dreg:$0x2] =	wrdreg s4  }
0xaa: {  	[dreg:$0x3] =	wrdreg s6  }
0xab: {  	[dreg:$0x4] =	wrdreg $0xC0  }
0xac: {  	_ =	task [dreg:s8], $0x5FFFF  }
0xad: {  	[dreg:$0x1] =	wrdreg $0xFFFFFFFF  }
0xae: {  	[dreg:$0x0] =	wrdreg $0x60  }
0xaf: {  	[dreg:$0x2] =	wrdreg s2  }
0xb0: {  	[dreg:$0x3] =	wrdreg s24  }
0xb1: {  	[dreg:$0x4] =	wrdreg s18  }
0xb2: {  	[dreg:$0x5] =	wrdreg $0x9  }
0xb3: {  	_ =	task.clear_ibuf [dreg:s8], $0x6FFFF;
	_ =	strace $0x90000046  }
0xb4: {  	s29 =	simm.s32 $0x9;
	_ =	strace $0x80000048  }
0xb5: {  	_ =	swait.ge [sflag:s29], $0x1  }
0xb6: {  	[sflag:s29] =	ssyncadd.s32 $0xFFFFFFFF  }
0xb7: {  	_ =	strace $0x90000048  }
0xb8: {  	_ =	sfence  }
0xb9: {  	s30 =	sld [smem:$0x0];
	_ =	sdelay $0x2  }
0xba: {  	s31 =	sshll.u32 s1, $0xD;
	s1 =	sshrl.u32 s1, $0x2  }
0xbb: {  	s3 =	sand.u32 $0x4000, s31;
	s1 =	sadd.s32 s1, s30  }
0xbc: {  	s0 =	sor.u32 s3, s0;
	s1 =	sshll.u32 s1, $0x11  }
0xbd: {  	s0 =	sor.u32 s1, s0  }
0xbe: {  	s0 =	sadd.s32 $0x8F2B, s0  }
0xbf: {  	[sflag:s0] =	ssyncadd.remote.s32 $0x1  }
0xc0: {  	_ =	sfence.sel $0xFFFF  }
0xc1: {  	[dreg:$0x0] =	wrdreg $0xFFFFFFFF;
	(pc) =	sbr.abs _section_cstart, $3  }
0xc2: {  	[dreg:$0x1] =	wrdreg $0xFFFFFFFF  }
0xc3: {  	_ =	task.clear_ibuf [dreg:s8], $0x2FFFF;
	_ =	strace $0x9FFFFFFF  }
0xc4: {  	(tm) =	ssettm $0x7FFFFFFF  }
0xc5: {  	_ =	shalt  }
tec
execute0_lowered:
.L_overlay_start_1:
0x0: {  	(tag) =	ssettag $0x1  }
0x1: {  	s1 =	rddreg [dreg:$0x0]  }
0x2: {  	s0 =	rddreg [dreg:$0x1];
	s2 =	srdreg.scid  }
0x3: {  	s4 =	stileid.u32;
	s3 =	rddreg [dreg:$0x2]  }
0x4: {  	s13 =	simm.s32 $0x5;
	s15 =	simm.s32 $0xA0;
	s18 =	simm.s32 $0x200  }
0x5: {  	s19 =	simm.s32 $0x300;
	s22 =	simm.s32 $0x1;
	s23 =	simm.s32 $0xA400  }
0x6: {  	s24 =	simm.s32 $0x2;
	s2 =	sand.u32 $0x1, s2;
	s5 =	sshll.u32 s4, $0x1  }
0x7: {  	s25 =	simm.s32 $0x19400;
	s5 =	sor.u32 s2, s5;
	s2 =	ssub.s32 $0x2, s2  }
0x8: {  	s4 =	simm.s32 $0x0;
	s5 =	smul.u32 $0x6400, s5;
	s8 =	sshrl.u32 s2, $0x1  }
0x9: {  	s6 =	sadd.s32 $0x600, s0;
	s7 =	sadd.s32 $0x19600, s0;
	s29 =	ssub.s32 s2, s8  }
0xa: {  	[smem:$0x7FF] =	sst s4;
	s30 =	sshrl.u32 s5, $0x3;
	s0 =	smax.u32 s29, $0x1  }
0xb: {  	_ =	strace $0x80000047;
	s31 =	sadd.s32 s6, s30;
	[dreg:$0x6] =	wrdreg s0  }
0xc: {  	s8 =	simm.s32 $0x0;
	s2 =	sadd.s32 s7, s30;
	[dreg:$0x4] =	wrdreg s31  }
0xd: {  	s10 =	sor.u32 $0xA0, s5;
	s11 =	sor.u32 $0x140, s5;
	[dreg:$0x5] =	wrdreg s2  }
.LBB2_1:
0xe: {  	[dreg:$0x7] =	wrdreg s8  }
0xf: {  	s0 =	rddreg [dreg:$0x4]  }
0x10: {  	[tilespmem:s4], [sflag:$0x5] =	stream.linear.gather [hbm4b:s0+s4], $0xA0, $0x38;
	[tilespmem:$0x1E400] =	vst v63  }
0x11: {  	_ =	swait.ge [sflag:s13], $0xA0  }
0x12: {  	[sflag:s13] =	ssyncset.done $0x0  }
0x13: {  	s2 =	simm.s32 $0x100;
	s28 =	rddreg [dreg:$0x5];
	[sflag:s13] =	ssyncadd.s32 $0xFFFFFF60  }
0x14: {  	[tilespmem:s2], [sflag:$0x5] =	stream.linear.gather [hbm4b:s28+s4], $0xA0, $0x38;
	[tilespmem:$0x1E400] =	vst v63  }
0x15: {  	_ =	swait.ge [sflag:s13], $0xA0  }
0x16: {  	[sflag:s13] =	ssyncset.done $0x0  }
0x17: {  	s29 =	simm.s32 $0x400;
	[sflag:s13] =	ssyncadd.s32 $0xFFFFFF60  }
0x18: {  	[tilespmem:s29], [sflag:$0x1] =	stream.indirect.gather [hbm4b:s1+s15], $0x80, s4, s15, $0xb8;
	[tilespmem:$0x1E400] =	vst v63  }
0x19: {  	s31 =	simm.s32 $0x5400;
	s30 =	simm.s32 $0x0  }
0x1a: {  	[tilespmem:s31], [sflag:$0x1] =	stream.indirect.gather [hbm4b:s1+s15], $0x80, s2, s15, $0xb8;
	[tilespmem:$0x1E400] =	vst v63  }
.LBB2_2:
0x1b: {  	s2 =	smul.u32 $0x140, s30;
	_ =	sdelay $0x1  }
0x1c: {  	s31 =	sadd.s32 s2, s10  }
0x1d: {  	s0 =	sshrl.u32 s31, $0x3  }
0x1e: {  	s8 =	sadd.s32 s6, s0  }
0x1f: {  	[tilespmem:s18], [sflag:$0x5] =	stream.linear.gather [hbm4b:s8+s4], $0xA0, $0x38;
	[tilespmem:$0x1E400] =	vst v63  }
0x20: {  	_ =	swait.ge [sflag:s13], $0xA0  }
0x21: {  	[sflag:s13] =	ssyncset.done $0x0  }
0x22: {  	s0 =	sadd.s32 s7, s0;
	[sflag:s13] =	ssyncadd.s32 $0xFFFFFF60  }
0x23: {  	[tilespmem:s19], [sflag:$0x5] =	stream.linear.gather [hbm4b:s0+s4], $0xA0, $0x38;
	[tilespmem:$0x1E400] =	vst v63  }
0x24: {  	_ =	swait.ge [sflag:s13], $0xA0  }
0x25: {  	[sflag:s13] =	ssyncset.done $0x0  }
0x26: {  	s21 =	simm.s32 $0xF400;
	[sflag:s13] =	ssyncadd.s32 $0xFFFFFF60  }
0x27: {  	[tilespmem:s21], [sflag:$0x2] =	stream.indirect.gather [hbm4b:s1+s15], $0x80, s18, s15, $0xb8;
	[tilespmem:$0x1E400] =	vst v63  }
0x28: {  	s26 =	simm.s32 $0x14400  }
0x29: {  	[tilespmem:s26], [sflag:$0x2] =	stream.indirect.gather [hbm4b:s1+s15], $0x80, s19, s15, $0xb8;
	[tilespmem:$0x1E400] =	vst v63  }
0x2a: {  	_ =	swait.ge [sflag:s22], $0x5000  }
0x2b: {  	[sflag:s22] =	ssyncset.done $0x0  }
0x2c: {  	[sflag:s22] =	ssyncadd.s32 $0xFFFFB000  }
0x2d: {  	_ =	swait.ge [sflag:s22], $0x5000  }
0x2e: {  	p0 =	seq.s32 s30, $0x0;
	[sflag:s22] =	ssyncset.done $0x0  }
0x2f: {  	s0 =	simm.s32 @!p0 $0x3;
	[sflag:s22] =	ssyncadd.s32 $0xFFFFB000  }
0x30: {  	_ =	swait.ge @!p0 [sflag:s0], $0x5000  }
0x31: {  	[sflag:s0] =	ssyncset.done @!p0 $0x0  }
0x32: {  	s12 =	simm.s32 $0x480;
	[sflag:s0] =	ssyncadd.s32 @!p0 $0xFFFFB000  }
0x33: {  	v0 =	vld [tilespmem:s12+$0x0]  }
0x34: {  	s16 =	simm.s32 $0x5480  }
0x35: {  	v1 =	vld [tilespmem:s16+$0x0];
	_ =	sdelay $0x2  }
0x36: {  	v0 =	vmul.f32 $1.131370830e+01, v0;
	_ =	sdelay $0x1  }
0x37: {  	v2 =	vld [tilespmem:s12+$0xFFFFFF80];
	v0 =	vadd.f32 v1, v0  }
0x38: {  	s0 =	simm.s32 $0xA480  }
0x39: {  	v1 =	vld [tilespmem:s16+$0xFFFFFF80];
	[tilespmem:s0+$0x0] =	vst v0  }
0x3a: {  	v0 =	vld [tilespmem:s12+$0x10];
	_ =	sdelay $0x1  }
0x3b: {  	v2 =	vmul.f32 $1.131370830e+01, v2;
	v3 =	vld [tilespmem:s16+$0x10];
	_ =	sdelay $0x1  }
0x3c: {  	v1 =	vadd.f32 v1, v2  }
0x3d: {  	v0 =	vmul.f32 $1.131370830e+01, v0  }
0x3e: {  	[tilespmem:s0+$0xFFFFFF80] =	vst v1  }
0x3f: {  	v1 =	vld [tilespmem:s12+$0xFFFFFF90];
	v0 =	vadd.f32 v3, v0;
	_ =	sdelay $0x1  }
0x40: {  	v2 =	vld [tilespmem:s16+$0xFFFFFF90];
	[tilespmem:s0+$0x10] =	vst v0  }
0x41: {  	v0 =	vld [tilespmem:s12+$0x20];
	_ =	sdelay $0x1  }
0x42: {  	v1 =	vmul.f32 $1.131370830e+01, v1;
	v3 =	vld [tilespmem:s16+$0x20];
	_ =	sdelay $0x1  }
0x43: {  	v1 =	vadd.f32 v2, v1  }
0x44: {  	v0 =	vmul.f32 $1.131370830e+01, v0  }
0x45: {  	[tilespmem:s0+$0xFFFFFF90] =	vst v1  }
0x46: {  	v1 =	vld [tilespmem:s12+$0xFFFFFFA0];
	v0 =	vadd.f32 v3, v0;
	_ =	sdelay $0x1  }
0x47: {  	v2 =	vld [tilespmem:s16+$0xFFFFFFA0];
	[tilespmem:s0+$0x20] =	vst v0  }
0x48: {  	s8 =	simm.s32 $0x580;
	v0 =	vld [tilespmem:s12+$0x30]  }
0x49: {  	v3 =	vld [tilespmem:s8+$0x0]  }
0x4a: {  	s14 =	simm.s32 $0x5580;
	v1 =	vmul.f32 $1.131370830e+01, v1;
	v4 =	vld [tilespmem:s16+$0x30]  }
0x4b: {  	v5 =	vld [tilespmem:s14+$0x0]  }
0x4c: {  	v1 =	vadd.f32 v2, v1  }
0x4d: {  	v2 =	vld [tilespmem:s8+$0xFFFFFF80];
	v0 =	vmul.f32 $1.131370830e+01, v0  }
0x4e: {  	v3 =	vmul.f32 $1.131370830e+01, v3;
	[tilespmem:s0+$0xFFFFFFA0] =	vst v1;
	v1 =	vld [tilespmem:s14+$0xFFFFFF80]  }
0x4f: {  	v6 =	vld [tilespmem:s12+$0xFFFFFFB0];
	v0 =	vadd.f32 v4, v0  }
0x50: {  	v3 =	vadd.f32 v5, v3  }
0x51: {  	s17 =	simm.s32 $0xA580;
	v4 =	vld [tilespmem:s16+$0xFFFFFFB0];
	[tilespmem:s0+$0x30] =	vst v0  }
0x52: {  	[tilespmem:s17+$0x0] =	vst v3;
	v0 =	vmul.f32 $1.131370830e+01, v2;
	v2 =	vld [tilespmem:s12+$0x40]  }
0x53: {  	v3 =	vld [tilespmem:s8+$0x10]  }
0x54: {  	v5 =	vld [tilespmem:s16+$0x40];
	v0 =	vadd.f32 v1, v0;
	v1 =	vmul.f32 $1.131370830e+01, v6  }
0x55: {  	v6 =	vld [tilespmem:s14+$0x10]  }
0x56: {  	[tilespmem:s17+$0xFFFFFF80] =	vst v0;
	v0 =	vadd.f32 v4, v1  }
0x57: {  	v1 =	vld [tilespmem:s8+$0xFFFFFF90];
	v2 =	vmul.f32 $1.131370830e+01, v2  }
0x58: {  	v3 =	vmul.f32 $1.131370830e+01, v3;
	[tilespmem:s0+$0xFFFFFFB0] =	vst v0;
	v0 =	vld [tilespmem:s14+$0xFFFFFF90]  }
0x59: {  	v4 =	vld [tilespmem:s12+$0xFFFFFFC0];
	v2 =	vadd.f32 v5, v2  }
0x5a: {  	v3 =	vadd.f32 v6, v3  }
0x5b: {  	v5 =	vld [tilespmem:s16+$0xFFFFFFC0];
	[tilespmem:s0+$0x40] =	vst v2  }
0x5c: {  	[tilespmem:s17+$0x10] =	vst v3;
	v1 =	vmul.f32 $1.131370830e+01, v1;
	v2 =	vld [tilespmem:s12+$0x50]  }
0x5d: {  	v3 =	vld [tilespmem:s8+$0x20]  }
0x5e: {  	v0 =	vadd.f32 v0, v1;
	v1 =	vmul.f32 $1.131370830e+01, v4;
	v4 =	vld [tilespmem:s16+$0x50]  }
0x5f: {  	v6 =	vld [tilespmem:s14+$0x20]  }
0x60: {  	[tilespmem:s17+$0xFFFFFF90] =	vst v0;
	v0 =	vadd.f32 v5, v1  }
0x61: {  	v1 =	vld [tilespmem:s8+$0xFFFFFFA0];
	v2 =	vmul.f32 $1.131370830e+01, v2  }
0x62: {  	v5 =	vld [tilespmem:s14+$0xFFFFFFA0];
	[tilespmem:s0+$0xFFFFFFC0] =	vst v0;
	v0 =	vmul.f32 $1.131370830e+01, v3  }
0x63: {  	v3 =	vld [tilespmem:s12+$0xFFFFFFD0];
	v2 =	vadd.f32 v4, v2  }
0x64: {  	s9 =	simm.s32 $0x680;
	v4 =	vld [tilespmem:s16+$0xFFFFFFD0];
	v0 =	vadd.f32 v6, v0  }
0x65: {  	v6 =	vld [tilespmem:s9+$0x0];
	[tilespmem:s0+$0x50] =	vst v2  }
0x66: {  	[tilespmem:s17+$0x20] =	vst v0;
	v0 =	vld [tilespmem:s12+$0x60]  }
0x67: {  	v2 =	vld [tilespmem:s8+$0x30]  }
0x68: {  	v1 =	vmul.f32 $1.131370830e+01, v1;
	v7 =	vld [tilespmem:s16+$0x60]  }
0x69: {  	s26 =	simm.s32 $0x5680;
	v8 =	vld [tilespmem:s14+$0x30]  }
0x6a: {  	v1 =	vadd.f32 v5, v1;
	v3 =	vmul.f32 $1.131370830e+01, v3;
	v5 =	vld [tilespmem:s26+$0x0]  }
0x6b: {  	v9 =	vld [tilespmem:s9+$0xFFFFFF80];
	v0 =	vmul.f32 $1.131370830e+01, v0  }
0x6c: {  	[tilespmem:s17+$0xFFFFFFA0] =	vst v1;
	v1 =	vadd.f32 v4, v3;
	v3 =	vld [tilespmem:s26+$0xFFFFFF80];
	v2 =	vmul.f32 $1.131370830e+01, v2  }
0x6d: {  	v6 =	vmul.f32 $1.131370830e+01, v6;
	v4 =	vld [tilespmem:s8+$0xFFFFFFB0];
	v0 =	vadd.f32 v7, v0  }
0x6e: {  	[tilespmem:s0+$0xFFFFFFD0] =	vst v1;
	v1 =	vld [tilespmem:s14+$0xFFFFFFB0];
	v2 =	vadd.f32 v8, v2  }
0x6f: {  	v7 =	vld [tilespmem:s12+$0xFFFFFFE0];
	[tilespmem:s0+$0x60] =	vst v0;
	v0 =	vadd.f32 v5, v6  }
0x70: {  	s29 =	simm.s32 $0xA680;
	v5 =	vmul.f32 $1.131370830e+01, v9;
	[tilespmem:s17+$0x30] =	vst v2;
	v2 =	vld [tilespmem:s12+$0x70]  }
0x71: {  	v6 =	vld [tilespmem:s8+$0x40];
	[tilespmem:s29+$0x0] =	vst v0  }
0x72: {  	v0 =	vadd.f32 v3, v5;
	v3 =	vmul.f32 $1.131370830e+01, v4;
	v4 =	vld [tilespmem:s9+$0x10]  }
0x73: {  	v5 =	vld [tilespmem:s14+$0x40]  }
0x74: {  	[tilespmem:s29+$0xFFFFFF80] =	vst v0;
	v0 =	vadd.f32 v1, v3;
	v1 =	vld [tilespmem:s26+$0x10]  }
0x75: {  	v3 =	vld [tilespmem:s9+$0xFFFFFF90]  }
0x76: {  	[tilespmem:s17+$0xFFFFFFB0] =	vst v0;
	v0 =	vld [tilespmem:s26+$0xFFFFFF90];
	v6 =	vmul.f32 $1.131370830e+01, v6  }
0x77: {  	v8 =	vld [tilespmem:s8+$0xFFFFFFC0];
	v4 =	vmul.f32 $1.131370830e+01, v4  }
0x78: {  	v62 =	vld [tilespmem:s16+$0x70];
	v5 =	vadd.f32 v5, v6  }
0x79: {  	v6 =	vld [tilespmem:s14+$0xFFFFFFC0];
	v1 =	vadd.f32 v1, v4  }
0x7a: {  	v4 =	vld [tilespmem:s16+$0xFFFFFFE0];
	v3 =	vmul.f32 $1.131370830e+01, v3;
	[tilespmem:s17+$0x40] =	vst v5  }
0x7b: {  	[tilespmem:s29+$0x10] =	vst v1;
	v1 =	vld [tilespmem:s8+$0x50]  }
0x7c: {  	v0 =	vadd.f32 v0, v3;
	v5 =	vmul.f32 $1.131370830e+01, v8;
	v3 =	vld [tilespmem:s9+$0x20]  }
0x7d: {  	v8 =	vld [tilespmem:s14+$0x50]  }
0x7e: {  	v7 =	vmul.f32 $1.131370830e+01, v7;
	[tilespmem:s29+$0xFFFFFF90] =	vst v0;
	v0 =	vld [tilespmem:s26+$0x20];
	v6 =	vadd.f32 v6, v5  }
0x7f: {  	v2 =	vmul.f32 $1.131370830e+01, v2;
	v5 =	vld [tilespmem:s9+$0xFFFFFFA0]  }
0x80: {  	v7 =	vadd.f32 v4, v7;
	v4 =	vld [tilespmem:s26+$0xFFFFFFA0];
	[tilespmem:s17+$0xFFFFFFC0] =	vst v6;
	v63 =	vmul.f32 $1.131370830e+01, v1  }
0x81: {  	v6 =	vadd.f32 v62, v2;
	v2 =	vld [tilespmem:s8+$0xFFFFFFD0];
	v10 =	vmul.f32 $1.131370830e+01, v3  }
0x82: {  	s20 =	simm.s32 $0x4;
	[tilespmem:s0+$0xFFFFFFE0] =	vst v7;
	v1 =	vld [tilespmem:s14+$0xFFFFFFD0];
	v3 =	vadd.f32 v8, v63  }
0x83: {  	s28 =	simm.s32 $0x5680;
	s21 =	simm.s32 $0x780;
	[tilespmem:s0+$0x70] =	vst v6;
	v6 =	vadd.f32 v0, v10;
	v0 =	vld [tilespmem:s12+$0xFFFFFFF0];
	s12 =	simm.s32 $0xA680  }
.LBB2_3:
0x84: {  	v7 =	vld [tilespmem:s21+$0x0];
	v5 =	vmul.f32 $1.131370830e+01, v5;
	[tilespmem:s17+$0x50] =	vst v3  }
0x85: {  	[tilespmem:s29+$0x20] =	vst v6;
	v3 =	vld [tilespmem:s8+$0x60]  }
0x86: {  	v4 =	vadd.f32 v4, v5;
	v5 =	vld [tilespmem:s9+$0x30];
	v2 =	vmul.f32 $1.131370830e+01, v2  }
0x87: {  	v6 =	vld [tilespmem:s14+$0x60]  }
0x88: {  	[tilespmem:s29+$0xFFFFFFA0] =	vst v4;
	v4 =	vld [tilespmem:s26+$0x30];
	v1 =	vadd.f32 v1, v2;
	v0 =	vmul.f32 $1.131370830e+01, v0  }
0x89: {  	s20 =	sadd.s32 $0x2, s20;
	s26 =	sadd.s32 $0x100, s26;
	v2 =	vld [tilespmem:s21+$0xFFFFFF80]  }
0x8a: {  	p1 =	slt.u32 s20, $0x9E;
	v8 =	vld [tilespmem:s26+$0x0];
	[tilespmem:s17+$0xFFFFFFD0] =	vst v1;
	v1 =	vmul.f32 $1.131370830e+01, v3  }
0x8b: {  	v3 =	vld [tilespmem:s26+$0xFFFFFF80];
	v5 =	vmul.f32 $1.131370830e+01, v5  }
0x8c: {  	v9 =	vld [tilespmem:s9+$0xFFFFFFB0];
	v1 =	vadd.f32 v6, v1  }
0x8d: {  	v6 =	vmul.f32 $1.131370830e+01, v7;
	v7 =	vld [tilespmem:s28+$0xFFFFFFB0];
	v4 =	vadd.f32 v4, v5  }
0x8e: {  	v2 =	vmul.f32 $1.131370830e+01, v2;
	v5 =	vld [tilespmem:s8+$0xFFFFFFE0];
	[tilespmem:s17+$0x60] =	vst v1  }
0x8f: {  	v1 =	vadd.f32 v8, v6;
	[tilespmem:s29+$0x30] =	vst v4;
	v4 =	vld [tilespmem:s8+$0x70]  }
0x90: {  	s29 =	sadd.s32 $0x100, s29;
	v2 =	vadd.f32 v3, v2;
	v3 =	vld [tilespmem:s9+$0x40]  }
0x91: {  	[tilespmem:s29+$0x0] =	vst v1;
	v1 =	vmul.f32 $1.131370830e+01, v9;
	v6 =	vld [tilespmem:s14+$0x70]  }
0x92: {  	[tilespmem:s29+$0xFFFFFF80] =	vst v2;
	v2 =	vld [tilespmem:s21+$0x10]  }
0x93: {  	v1 =	vadd.f32 v7, v1;
	v7 =	vld [tilespmem:s28+$0x40];
	v5 =	vmul.f32 $1.131370830e+01, v5  }
0x94: {  	v8 =	vld [tilespmem:s26+$0x10];
	v4 =	vmul.f32 $1.131370830e+01, v4  }
0x95: {  	v9 =	vld [tilespmem:s21+$0xFFFFFF90];
	[tilespmem:s12+$0xFFFFFFB0] =	vst v1  }
0x96: {  	v3 =	vmul.f32 $1.131370830e+01, v3;
	v1 =	vld [tilespmem:s26+$0xFFFFFF90];
	v4 =	vadd.f32 v6, v4  }
0x97: {  	v2 =	vmul.f32 $1.131370830e+01, v2;
	v6 =	vld [tilespmem:s9+$0xFFFFFFC0]  }
0x98: {  	v10 =	vld [tilespmem:s28+$0xFFFFFFC0];
	v3 =	vadd.f32 v7, v3;
	[tilespmem:s17+$0x70] =	vst v4  }
0x99: {  	v2 =	vadd.f32 v8, v2;
	v4 =	vld [tilespmem:s14+$0xFFFFFFE0]  }
0x9a: {  	v7 =	vmul.f32 $1.131370830e+01, v9;
	[tilespmem:s12+$0x40] =	vst v3;
	v3 =	vld [tilespmem:s16+$0xFFFFFFF0];
	s16 =	smov.u32 s14;
	s14 =	smov.u32 s28;
	s28 =	smov.u32 s26  }
0x9b: {  	[tilespmem:s29+$0x10] =	vst v2;
	v2 =	vld [tilespmem:s9+$0x50]  }
0x9c: {  	v1 =	vadd.f32 v1, v7;
	v7 =	vld [tilespmem:s21+$0x20];
	v6 =	vmul.f32 $1.131370830e+01, v6  }
0x9d: {  	v8 =	vld [tilespmem:s14+$0x50]  }
0x9e: {  	[tilespmem:s29+$0xFFFFFF90] =	vst v1;
	v9 =	vld [tilespmem:s26+$0x20];
	v1 =	vadd.f32 v10, v6;
	v6 =	vadd.f32 v4, v5  }
.Ltmp0:
0x9f: {  	v5 =	vld [tilespmem:s21+$0xFFFFFFA0];
	v0 =	vadd.f32 v3, v0;
	(pc) =	sbr.rel @p1 .LBB2_3-.Ltmp0, $4  }
0xa0: {  	v4 =	vld [tilespmem:s26+$0xFFFFFFA0];
	[tilespmem:s12+$0xFFFFFFC0] =	vst v1;
	v3 =	vmul.f32 $1.131370830e+01, v2  }
0xa1: {  	v7 =	vmul.f32 $1.131370830e+01, v7;
	v2 =	vld [tilespmem:s9+$0xFFFFFFD0];
	[tilespmem:s17+$0xFFFFFFE0] =	vst v6  }
0xa2: {  	v1 =	vld [tilespmem:s14+$0xFFFFFFD0];
	v3 =	vadd.f32 v8, v3;
	[tilespmem:s0+$0xFFFFFFF0] =	vst v0;
	s0 =	smov.u32 s17;
	s17 =	smov.u32 s12;
	s12 =	smov.u32 s29  }
0xa3: {  	v6 =	vadd.f32 v9, v7;
	v0 =	vld [tilespmem:s8+$0xFFFFFFF0];
	s8 =	smov.u32 s9;
	s9 =	smov.u32 s21;
	s21 =	sadd.s32 $0x100, s21  }
0xa4: {  	v5 =	vmul.f32 $1.131370830e+01, v5;
	_ =	sdelay $0x1  }
0xa5: {  	[tilespmem:s29+$0x20] =	vst v6;
	v4 =	vadd.f32 v4, v5  }
0xa6: {  	v5 =	vld [tilespmem:s9+$0x30]  }
0xa7: {  	[tilespmem:s29+$0xFFFFFFA0] =	vst v4;
	v4 =	vld [tilespmem:s26+$0x30]  }
0xa8: {  	v6 =	vld [tilespmem:s9+$0xFFFFFFB0];
	_ =	sdelay $0x1  }
0xa9: {  	v7 =	vld [tilespmem:s28+$0xFFFFFFB0]  }
0xaa: {  	v5 =	vmul.f32 $1.131370830e+01, v5;
	_ =	sdelay $0x1  }
0xab: {  	v4 =	vadd.f32 v4, v5;
	v5 =	vmul.f32 $1.131370830e+01, v6;
	_ =	sdelay $0x1  }
0xac: {  	[tilespmem:s29+$0x30] =	vst v4;
	v4 =	vadd.f32 v7, v5  }
0xad: {  	v5 =	vld [tilespmem:s9+$0x40]  }
0xae: {  	v6 =	vld [tilespmem:s28+$0x40];
	[tilespmem:s12+$0xFFFFFFB0] =	vst v4  }
0xaf: {  	v4 =	vld [tilespmem:s9+$0xFFFFFFC0];
	_ =	sdelay $0x1  }
0xb0: {  	v7 =	vld [tilespmem:s28+$0xFFFFFFC0]  }
0xb1: {  	v5 =	vmul.f32 $1.131370830e+01, v5;
	_ =	sdelay $0x1  }
0xb2: {  	v5 =	vadd.f32 v6, v5;
	v4 =	vmul.f32 $1.131370830e+01, v4;
	_ =	sdelay $0x1  }
0xb3: {  	[tilespmem:s12+$0x40] =	vst v5;
	v4 =	vadd.f32 v7, v4  }
0xb4: {  	v5 =	vld [tilespmem:s9+$0x50]  }
0xb5: {  	v6 =	vld [tilespmem:s28+$0x50];
	[tilespmem:s12+$0xFFFFFFC0] =	vst v4  }
0xb6: {  	v4 =	vld [tilespmem:s9+$0xFFFFFFD0]  }
0xb7: {  	v2 =	vmul.f32 $1.131370830e+01, v2  }
0xb8: {  	v7 =	vld [tilespmem:s28+$0xFFFFFFD0]  }
0xb9: {  	[tilespmem:s17+$0x50] =	vst v3;
	v1 =	vadd.f32 v1, v2;
	v2 =	vmul.f32 $1.131370830e+01, v5  }
0xba: {  	v3 =	vld [tilespmem:s8+$0x60]  }
0xbb: {  	[tilespmem:s17+$0xFFFFFFD0] =	vst v1;
	v1 =	vadd.f32 v6, v2;
	v2 =	vmul.f32 $1.131370830e+01, v4  }
0xbc: {  	v5 =	vld [tilespmem:s14+$0x60]  }
0xbd: {  	v4 =	vld [tilespmem:s8+$0xFFFFFFE0];
	[tilespmem:s12+$0x50] =	vst v1;
	v1 =	vadd.f32 v7, v2  }
0xbe: {  	v6 =	vld [tilespmem:s14+$0xFFFFFFE0]  }
0xbf: {  	v3 =	vmul.f32 $1.131370830e+01, v3;
	v2 =	vld [tilespmem:s9+$0x60];
	[tilespmem:s12+$0xFFFFFFD0] =	vst v1  }
0xc0: {  	v1 =	vld [tilespmem:s9+$0xFFFFFFE0]  }
0xc1: {  	v7 =	vld [tilespmem:s28+$0x60];
	v3 =	vadd.f32 v5, v3  }
0xc2: {  	v4 =	vmul.f32 $1.131370830e+01, v4;
	v5 =	vld [tilespmem:s28+$0xFFFFFFE0]  }
0xc3: {  	[tilespmem:s17+$0x60] =	vst v3  }
0xc4: {  	v3 =	vld [tilespmem:s8+$0x70];
	v2 =	vmul.f32 $1.131370830e+01, v2;
	v4 =	vadd.f32 v6, v4  }
0xc5: {  	v6 =	vld [tilespmem:s14+$0x70];
	v1 =	vmul.f32 $1.131370830e+01, v1  }
0xc6: {  	v2 =	vadd.f32 v7, v2;
	v7 =	vld [tilespmem:s16+$0xFFFFFFF0];
	[tilespmem:s17+$0xFFFFFFE0] =	vst v4  }
0xc7: {  	v4 =	vld [tilespmem:s8+$0xFFFFFFF0];
	v1 =	vadd.f32 v5, v1  }
0xc8: {  	v8 =	vld [tilespmem:s14+$0xFFFFFFF0];
	[tilespmem:s12+$0x60] =	vst v2  }
0xc9: {  	v2 =	vld [tilespmem:s9+$0x70];
	[tilespmem:s12+$0xFFFFFFE0] =	vst v1  }
0xca: {  	v1 =	vld [tilespmem:s9+$0xFFFFFFF0]  }
0xcb: {  	v0 =	vmul.f32 $1.131370830e+01, v0;
	v5 =	vld [tilespmem:s28+$0x70]  }
0xcc: {  	v3 =	vmul.f32 $1.131370830e+01, v3;
	v9 =	vld [tilespmem:s28+$0xFFFFFFF0]  }
0xcd: {  	v0 =	vadd.f32 v7, v0;
	v4 =	vmul.f32 $1.131370830e+01, v4  }
0xce: {  	v3 =	vadd.f32 v6, v3;
	v2 =	vmul.f32 $1.131370830e+01, v2  }
0xcf: {  	[tilespmem:s0+$0xFFFFFFF0] =	vst v0;
	v0 =	vadd.f32 v8, v4;
	v1 =	vmul.f32 $1.131370830e+01, v1  }
0xd0: {  	[tilespmem:s17+$0x70] =	vst v3;
	v2 =	vadd.f32 v5, v2  }
0xd1: {  	s26 =	sadd.s32 s5, s2;
	[tilespmem:s17+$0xFFFFFFF0] =	vst v0;
	v1 =	vadd.f32 v9, v1  }
0xd2: {  	s0 =	sshll.u32 s26, $0x4;
	[tilespmem:s12+$0x70] =	vst v2  }
0xd3: {  	p1 =	seq.s32 s30, $0x4F;
	s0 =	sadd.s32 s3, s0;
	[tilespmem:s12+$0xFFFFFFF0] =	vst v1  }
0xd4: {  	[hbm4b:s0+s4] =	stream.linear.scatter [tilespmem:s23], [sflag:$0x3], $0x5000, $0x38;
	[tilespmem:$0x1E400] =	vst v63  }
0xd5: {  	s0 =	sadd.s32 @!p1 s2, s11  }
0xd6: {  	s0 =	sshrl.u32 @!p1 s0, $0x3  }
0xd7: {  	s8 =	simm.s32 @!p1 $0x0;
	s2 =	sadd.s32 @!p1 s6, s0  }
0xd8: {  	[tilespmem:s8], [sflag:$0x5] =	stream.linear.gather @!p1 [hbm4b:s2+s8], $0xA0, $0x38;
	[tilespmem:$0x1E400] =	vst v63  }
0xd9: {  	s2 =	simm.s32 @!p1 $0x5  }
0xda: {  	_ =	swait.ge @!p1 [sflag:s2], $0xA0  }
0xdb: {  	[sflag:s2] =	ssyncset.done @!p1 $0x0  }
0xdc: {  	s9 =	simm.s32 @!p1 $0x100;
	s0 =	sadd.s32 @!p1 s7, s0;
	[sflag:s2] =	ssyncadd.s32 @!p1 $0xFFFFFF60  }
0xdd: {  	[tilespmem:s9], [sflag:$0x5] =	stream.linear.gather @!p1 [hbm4b:s0+s8], $0xA0, $0x38;
	[tilespmem:$0x1E400] =	vst v63  }
0xde: {  	_ =	swait.ge @!p1 [sflag:s2], $0xA0  }
0xdf: {  	[sflag:s2] =	ssyncset.done @!p1 $0x0  }
0xe0: {  	s0 =	simm.s32 @!p1 $0xA0;
	[sflag:s2] =	ssyncadd.s32 @!p1 $0xFFFFFF60;
	s2 =	simm.s32 @!p1 $0x400  }
0xe1: {  	[tilespmem:s2], [sflag:$0x1] =	stream.indirect.gather @!p1 [hbm4b:s1+s0], $0x80, s8, s0, $0xb8;
	[tilespmem:$0x1E400] =	vst v63  }
0xe2: {  	s2 =	simm.s32 @!p1 $0x5400  }
0xe3: {  	[tilespmem:s2], [sflag:$0x1] =	stream.indirect.gather @!p1 [hbm4b:s1+s0], $0x80, s9, s0, $0xb8;
	[tilespmem:$0x1E400] =	vst v63  }
0xe4: {  	_ =	swait.ge [sflag:s24], $0x5000  }
0xe5: {  	[sflag:s24] =	ssyncset.done $0x0  }
0xe6: {  	[sflag:s24] =	ssyncadd.s32 $0xFFFFB000  }
0xe7: {  	_ =	swait.ge [sflag:s24], $0x5000  }
0xe8: {  	[sflag:s24] =	ssyncset.done $0x0  }
0xe9: {  	s0 =	simm.s32 @!p0 $0x4;
	[sflag:s24] =	ssyncadd.s32 $0xFFFFB000  }
0xea: {  	_ =	swait.ge @!p0 [sflag:s0], $0x5000  }
0xeb: {  	[sflag:s0] =	ssyncset.done @!p0 $0x0  }
0xec: {  	s29 =	simm.s32 $0xF480;
	[sflag:s0] =	ssyncadd.s32 @!p0 $0xFFFFB000  }
0xed: {  	v0 =	vld [tilespmem:s29+$0x0]  }
0xee: {  	s2 =	simm.s32 $0x14480  }
0xef: {  	v1 =	vld [tilespmem:s2+$0x0];
	_ =	sdelay $0x2  }
0xf0: {  	v0 =	vmul.f32 $1.131370830e+01, v0;
	_ =	sdelay $0x1  }
0xf1: {  	v2 =	vld [tilespmem:s29+$0xFFFFFF80];
	v0 =	vadd.f32 v1, v0  }
0xf2: {  	s0 =	simm.s32 $0x19480  }
0xf3: {  	v1 =	vld [tilespmem:s2+$0xFFFFFF80];
	[tilespmem:s0+$0x0] =	vst v0  }
0xf4: {  	v0 =	vld [tilespmem:s29+$0x10];
	_ =	sdelay $0x1  }
0xf5: {  	v2 =	vmul.f32 $1.131370830e+01, v2;
	v3 =	vld [tilespmem:s2+$0x10];
	_ =	sdelay $0x1  }
0xf6: {  	v1 =	vadd.f32 v1, v2  }
0xf7: {  	v0 =	vmul.f32 $1.131370830e+01, v0  }
0xf8: {  	[tilespmem:s0+$0xFFFFFF80] =	vst v1  }
0xf9: {  	v1 =	vld [tilespmem:s29+$0xFFFFFF90];
	v0 =	vadd.f32 v3, v0;
	_ =	sdelay $0x1  }
0xfa: {  	v2 =	vld [tilespmem:s2+$0xFFFFFF90];
	[tilespmem:s0+$0x10] =	vst v0  }
0xfb: {  	v0 =	vld [tilespmem:s29+$0x20];
	_ =	sdelay $0x1  }
0xfc: {  	v1 =	vmul.f32 $1.131370830e+01, v1;
	v3 =	vld [tilespmem:s2+$0x20];
	_ =	sdelay $0x1  }
0xfd: {  	v1 =	vadd.f32 v2, v1  }
0xfe: {  	v0 =	vmul.f32 $1.131370830e+01, v0  }
0xff: {  	[tilespmem:s0+$0xFFFFFF90] =	vst v1  }
0x100: {  	v1 =	vld [tilespmem:s29+$0xFFFFFFA0];
	v0 =	vadd.f32 v3, v0;
	_ =	sdelay $0x1  }
0x101: {  	v2 =	vld [tilespmem:s2+$0xFFFFFFA0];
	[tilespmem:s0+$0x20] =	vst v0  }
0x102: {  	s8 =	simm.s32 $0xF580;
	v0 =	vld [tilespmem:s29+$0x30]  }
0x103: {  	v3 =	vld [tilespmem:s8+$0x0]  }
0x104: {  	s14 =	simm.s32 $0x14580;
	v1 =	vmul.f32 $1.131370830e+01, v1;
	v4 =	vld [tilespmem:s2+$0x30]  }
0x105: {  	v5 =	vld [tilespmem:s14+$0x0]  }
0x106: {  	v1 =	vadd.f32 v2, v1  }
0x107: {  	v2 =	vld [tilespmem:s8+$0xFFFFFF80];
	v0 =	vmul.f32 $1.131370830e+01, v0  }
0x108: {  	v3 =	vmul.f32 $1.131370830e+01, v3;
	[tilespmem:s0+$0xFFFFFFA0] =	vst v1;
	v1 =	vld [tilespmem:s14+$0xFFFFFF80]  }
0x109: {  	v6 =	vld [tilespmem:s29+$0xFFFFFFB0];
	v0 =	vadd.f32 v4, v0  }
0x10a: {  	v3 =	vadd.f32 v5, v3  }
0x10b: {  	s16 =	simm.s32 $0x19580;
	v4 =	vld [tilespmem:s2+$0xFFFFFFB0];
	[tilespmem:s0+$0x30] =	vst v0  }
0x10c: {  	[tilespmem:s16+$0x0] =	vst v3;
	v0 =	vmul.f32 $1.131370830e+01, v2;
	v2 =	vld [tilespmem:s29+$0x40]  }
0x10d: {  	v3 =	vld [tilespmem:s8+$0x10]  }
0x10e: {  	v5 =	vld [tilespmem:s2+$0x40];
	v0 =	vadd.f32 v1, v0;
	v1 =	vmul.f32 $1.131370830e+01, v6  }
0x10f: {  	v6 =	vld [tilespmem:s14+$0x10]  }
0x110: {  	[tilespmem:s16+$0xFFFFFF80] =	vst v0;
	v0 =	vadd.f32 v4, v1  }
0x111: {  	v1 =	vld [tilespmem:s8+$0xFFFFFF90];
	v2 =	vmul.f32 $1.131370830e+01, v2  }
0x112: {  	v3 =	vmul.f32 $1.131370830e+01, v3;
	[tilespmem:s0+$0xFFFFFFB0] =	vst v0;
	v0 =	vld [tilespmem:s14+$0xFFFFFF90]  }
0x113: {  	v4 =	vld [tilespmem:s29+$0xFFFFFFC0];
	v2 =	vadd.f32 v5, v2  }
0x114: {  	v3 =	vadd.f32 v6, v3  }
0x115: {  	v5 =	vld [tilespmem:s2+$0xFFFFFFC0];
	[tilespmem:s0+$0x40] =	vst v2  }
0x116: {  	[tilespmem:s16+$0x10] =	vst v3;
	v1 =	vmul.f32 $1.131370830e+01, v1;
	v2 =	vld [tilespmem:s29+$0x50]  }
0x117: {  	v3 =	vld [tilespmem:s8+$0x20]  }
0x118: {  	v0 =	vadd.f32 v0, v1;
	v1 =	vmul.f32 $1.131370830e+01, v4;
	v4 =	vld [tilespmem:s2+$0x50]  }
0x119: {  	v6 =	vld [tilespmem:s14+$0x20]  }
0x11a: {  	[tilespmem:s16+$0xFFFFFF90] =	vst v0;
	v0 =	vadd.f32 v5, v1  }
0x11b: {  	v1 =	vld [tilespmem:s8+$0xFFFFFFA0];
	v2 =	vmul.f32 $1.131370830e+01, v2  }
0x11c: {  	v5 =	vld [tilespmem:s14+$0xFFFFFFA0];
	[tilespmem:s0+$0xFFFFFFC0] =	vst v0;
	v0 =	vmul.f32 $1.131370830e+01, v3  }
0x11d: {  	v3 =	vld [tilespmem:s29+$0xFFFFFFD0];
	v2 =	vadd.f32 v4, v2  }
0x11e: {  	s9 =	simm.s32 $0xF680;
	v4 =	vld [tilespmem:s2+$0xFFFFFFD0];
	v0 =	vadd.f32 v6, v0  }
0x11f: {  	v6 =	vld [tilespmem:s9+$0x0];
	[tilespmem:s0+$0x50] =	vst v2  }
0x120: {  	[tilespmem:s16+$0x20] =	vst v0;
	v0 =	vld [tilespmem:s29+$0x60]  }
0x121: {  	v2 =	vld [tilespmem:s8+$0x30]  }
0x122: {  	v1 =	vmul.f32 $1.131370830e+01, v1;
	v7 =	vld [tilespmem:s2+$0x60]  }
0x123: {  	s17 =	simm.s32 $0x14680;
	v8 =	vld [tilespmem:s14+$0x30]  }
0x124: {  	v1 =	vadd.f32 v5, v1;
	v3 =	vmul.f32 $1.131370830e+01, v3;
	v5 =	vld [tilespmem:s17+$0x0]  }
0x125: {  	v61 =	vld [tilespmem:s9+$0xFFFFFF80];
	v0 =	vmul.f32 $1.131370830e+01, v0  }
0x126: {  	[tilespmem:s16+$0xFFFFFFA0] =	vst v1;
	v1 =	vadd.f32 v4, v3;
	v3 =	vld [tilespmem:s17+$0xFFFFFF80];
	v2 =	vmul.f32 $1.131370830e+01, v2  }
0x127: {  	v6 =	vmul.f32 $1.131370830e+01, v6;
	v4 =	vld [tilespmem:s8+$0xFFFFFFB0];
	v0 =	vadd.f32 v7, v0  }
0x128: {  	[tilespmem:s0+$0xFFFFFFD0] =	vst v1;
	v1 =	vld [tilespmem:s14+$0xFFFFFFB0];
	v2 =	vadd.f32 v8, v2  }
0x129: {  	v7 =	vld [tilespmem:s29+$0xFFFFFFE0];
	[tilespmem:s0+$0x60] =	vst v0;
	v0 =	vadd.f32 v5, v6  }
0x12a: {  	s28 =	simm.s32 $0x19680;
	v5 =	vmul.f32 $1.131370830e+01, v61;
	[tilespmem:s16+$0x30] =	vst v2;
	v2 =	vld [tilespmem:s29+$0x70]  }
0x12b: {  	v6 =	vld [tilespmem:s8+$0x40];
	[tilespmem:s28+$0x0] =	vst v0  }
0x12c: {  	v0 =	vadd.f32 v3, v5;
	v3 =	vmul.f32 $1.131370830e+01, v4;
	v4 =	vld [tilespmem:s9+$0x10]  }
0x12d: {  	v5 =	vld [tilespmem:s14+$0x40]  }
0x12e: {  	[tilespmem:s28+$0xFFFFFF80] =	vst v0;
	v0 =	vadd.f32 v1, v3;
	v1 =	vld [tilespmem:s17+$0x10]  }
0x12f: {  	v3 =	vld [tilespmem:s9+$0xFFFFFF90]  }
0x130: {  	[tilespmem:s16+$0xFFFFFFB0] =	vst v0;
	v0 =	vld [tilespmem:s17+$0xFFFFFF90];
	v6 =	vmul.f32 $1.131370830e+01, v6  }
0x131: {  	v8 =	vld [tilespmem:s8+$0xFFFFFFC0];
	v4 =	vmul.f32 $1.131370830e+01, v4  }
0x132: {  	v62 =	vld [tilespmem:s2+$0x70];
	v5 =	vadd.f32 v5, v6  }
0x133: {  	v6 =	vld [tilespmem:s14+$0xFFFFFFC0];
	v1 =	vadd.f32 v1, v4  }
0x134: {  	v4 =	vld [tilespmem:s2+$0xFFFFFFE0];
	v3 =	vmul.f32 $1.131370830e+01, v3;
	[tilespmem:s16+$0x40] =	vst v5  }
0x135: {  	[tilespmem:s28+$0x10] =	vst v1;
	v1 =	vld [tilespmem:s8+$0x50]  }
0x136: {  	v0 =	vadd.f32 v0, v3;
	v5 =	vmul.f32 $1.131370830e+01, v8;
	v3 =	vld [tilespmem:s9+$0x20]  }
0x137: {  	v8 =	vld [tilespmem:s14+$0x50]  }
0x138: {  	v7 =	vmul.f32 $1.131370830e+01, v7;
	[tilespmem:s28+$0xFFFFFF90] =	vst v0;
	v0 =	vld [tilespmem:s17+$0x20];
	v6 =	vadd.f32 v6, v5  }
0x139: {  	v2 =	vmul.f32 $1.131370830e+01, v2;
	v5 =	vld [tilespmem:s9+$0xFFFFFFA0]  }
0x13a: {  	v7 =	vadd.f32 v4, v7;
	v4 =	vld [tilespmem:s17+$0xFFFFFFA0];
	[tilespmem:s16+$0xFFFFFFC0] =	vst v6;
	v63 =	vmul.f32 $1.131370830e+01, v1  }
0x13b: {  	v6 =	vadd.f32 v62, v2;
	v2 =	vld [tilespmem:s8+$0xFFFFFFD0];
	v10 =	vmul.f32 $1.131370830e+01, v3  }
0x13c: {  	s20 =	simm.s32 $0x4;
	[tilespmem:s0+$0xFFFFFFE0] =	vst v7;
	v1 =	vld [tilespmem:s14+$0xFFFFFFD0];
	v3 =	vadd.f32 v8, v63  }
0x13d: {  	s21 =	simm.s32 $0xF780;
	s26 =	simm.s32 $0x14680;
	s12 =	simm.s32 $0x19680;
	[tilespmem:s0+$0x70] =	vst v6;
	v6 =	vadd.f32 v0, v10;
	v0 =	vld [tilespmem:s29+$0xFFFFFFF0]  }
.LBB2_5:
0x13e: {  	v7 =	vld [tilespmem:s21+$0x0];
	v5 =	vmul.f32 $1.131370830e+01, v5;
	[tilespmem:s16+$0x50] =	vst v3  }
0x13f: {  	[tilespmem:s28+$0x20] =	vst v6;
	v3 =	vld [tilespmem:s8+$0x60]  }
0x140: {  	v4 =	vadd.f32 v4, v5;
	v5 =	vld [tilespmem:s9+$0x30];
	v2 =	vmul.f32 $1.131370830e+01, v2  }
0x141: {  	v6 =	vld [tilespmem:s14+$0x60]  }
0x142: {  	[tilespmem:s28+$0xFFFFFFA0] =	vst v4;
	v4 =	vld [tilespmem:s17+$0x30];
	v1 =	vadd.f32 v1, v2;
	v0 =	vmul.f32 $1.131370830e+01, v0  }
0x143: {  	s20 =	sadd.s32 $0x2, s20;
	s17 =	sadd.s32 $0x100, s17;
	v2 =	vld [tilespmem:s21+$0xFFFFFF80]  }
0x144: {  	p0 =	slt.u32 s20, $0x9E;
	v8 =	vld [tilespmem:s17+$0x0];
	[tilespmem:s16+$0xFFFFFFD0] =	vst v1;
	v1 =	vmul.f32 $1.131370830e+01, v3  }
0x145: {  	v3 =	vld [tilespmem:s17+$0xFFFFFF80];
	v5 =	vmul.f32 $1.131370830e+01, v5  }
0x146: {  	v9 =	vld [tilespmem:s9+$0xFFFFFFB0];
	v1 =	vadd.f32 v6, v1  }
0x147: {  	v6 =	vmul.f32 $1.131370830e+01, v7;
	v7 =	vld [tilespmem:s26+$0xFFFFFFB0];
	v4 =	vadd.f32 v4, v5  }
0x148: {  	v2 =	vmul.f32 $1.131370830e+01, v2;
	v5 =	vld [tilespmem:s8+$0xFFFFFFE0];
	[tilespmem:s16+$0x60] =	vst v1  }
0x149: {  	v1 =	vadd.f32 v8, v6;
	[tilespmem:s28+$0x30] =	vst v4;
	v4 =	vld [tilespmem:s8+$0x70]  }
0x14a: {  	s28 =	sadd.s32 $0x100, s28;
	v2 =	vadd.f32 v3, v2;
	v3 =	vld [tilespmem:s9+$0x40]  }
0x14b: {  	[tilespmem:s28+$0x0] =	vst v1;
	v1 =	vmul.f32 $1.131370830e+01, v9;
	v6 =	vld [tilespmem:s14+$0x70]  }
0x14c: {  	[tilespmem:s28+$0xFFFFFF80] =	vst v2;
	v2 =	vld [tilespmem:s21+$0x10]  }
0x14d: {  	v1 =	vadd.f32 v7, v1;
	v7 =	vld [tilespmem:s26+$0x40];
	v5 =	vmul.f32 $1.131370830e+01, v5  }
0x14e: {  	v8 =	vld [tilespmem:s17+$0x10];
	v4 =	vmul.f32 $1.131370830e+01, v4  }
0x14f: {  	v9 =	vld [tilespmem:s21+$0xFFFFFF90];
	[tilespmem:s12+$0xFFFFFFB0] =	vst v1  }
0x150: {  	v3 =	vmul.f32 $1.131370830e+01, v3;
	v1 =	vld [tilespmem:s17+$0xFFFFFF90];
	v4 =	vadd.f32 v6, v4  }
0x151: {  	v2 =	vmul.f32 $1.131370830e+01, v2;
	v6 =	vld [tilespmem:s9+$0xFFFFFFC0]  }
0x152: {  	v10 =	vld [tilespmem:s26+$0xFFFFFFC0];
	v3 =	vadd.f32 v7, v3;
	[tilespmem:s16+$0x70] =	vst v4  }
0x153: {  	v2 =	vadd.f32 v8, v2;
	v4 =	vld [tilespmem:s14+$0xFFFFFFE0]  }
0x154: {  	v7 =	vmul.f32 $1.131370830e+01, v9;
	[tilespmem:s12+$0x40] =	vst v3;
	v3 =	vld [tilespmem:s2+$0xFFFFFFF0];
	s2 =	smov.u32 s14;
	s14 =	smov.u32 s26;
	s26 =	smov.u32 s17  }
0x155: {  	[tilespmem:s28+$0x10] =	vst v2;
	v2 =	vld [tilespmem:s9+$0x50]  }
0x156: {  	v1 =	vadd.f32 v1, v7;
	v7 =	vld [tilespmem:s21+$0x20];
	v6 =	vmul.f32 $1.131370830e+01, v6  }
0x157: {  	v8 =	vld [tilespmem:s14+$0x50]  }
0x158: {  	[tilespmem:s28+$0xFFFFFF90] =	vst v1;
	v9 =	vld [tilespmem:s17+$0x20];
	v1 =	vadd.f32 v10, v6;
	v6 =	vadd.f32 v4, v5  }
.Ltmp1:
0x159: {  	v5 =	vld [tilespmem:s21+$0xFFFFFFA0];
	v0 =	vadd.f32 v3, v0;
	(pc) =	sbr.rel @p0 .LBB2_5-.Ltmp1, $4  }
0x15a: {  	v4 =	vld [tilespmem:s17+$0xFFFFFFA0];
	[tilespmem:s12+$0xFFFFFFC0] =	vst v1;
	v3 =	vmul.f32 $1.131370830e+01, v2  }
0x15b: {  	v7 =	vmul.f32 $1.131370830e+01, v7;
	v2 =	vld [tilespmem:s9+$0xFFFFFFD0];
	[tilespmem:s16+$0xFFFFFFE0] =	vst v6  }
0x15c: {  	v1 =	vld [tilespmem:s14+$0xFFFFFFD0];
	v3 =	vadd.f32 v8, v3;
	[tilespmem:s0+$0xFFFFFFF0] =	vst v0;
	s0 =	smov.u32 s16;
	s16 =	smov.u32 s12;
	s12 =	smov.u32 s28  }
0x15d: {  	v6 =	vadd.f32 v9, v7;
	v0 =	vld [tilespmem:s8+$0xFFFFFFF0];
	s8 =	smov.u32 s9;
	s9 =	smov.u32 s21;
	s21 =	sadd.s32 $0x100, s21  }
0x15e: {  	v5 =	vmul.f32 $1.131370830e+01, v5;
	_ =	sdelay $0x1  }
0x15f: {  	v4 =	vadd.f32 v4, v5  }
0x160: {  	[tilespmem:s28+$0x20] =	vst v6  }
0x161: {  	v40 =	vld [tilespmem:s9+$0x30];
	[tilespmem:s28+$0xFFFFFFA0] =	vst v4  }
0x162: {  	v42 =	vld [tilespmem:s9+$0xFFFFFFB0]  }
0x163: {  	v41 =	vld [tilespmem:s17+$0x30]  }
0x164: {  	v7 =	vld [tilespmem:s26+$0xFFFFFFB0];
	_ =	sdelay $0x1  }
0x165: {  	v5 =	vmul.f32 $1.131370830e+01, v40  }
0x166: {  	v43 =	vmul.f32 $1.131370830e+01, v42  }
0x167: {  	v4 =	vadd.f32 v41, v5  }
0x168: {  	v44 =	vadd.f32 v7, v43  }
0x169: {  	[tilespmem:s28+$0x30] =	vst v4  }
0x16a: {  	v45 =	vld [tilespmem:s9+$0x40];
	[tilespmem:s12+$0xFFFFFFB0] =	vst v44  }
0x16b: {  	v4 =	vld [tilespmem:s9+$0xFFFFFFC0]  }
0x16c: {  	v46 =	vld [tilespmem:s26+$0x40]  }
0x16d: {  	v47 =	vld [tilespmem:s26+$0xFFFFFFC0];
	_ =	sdelay $0x1  }
0x16e: {  	v5 =	vmul.f32 $1.131370830e+01, v45  }
0x16f: {  	v4 =	vmul.f32 $1.131370830e+01, v4  }
0x170: {  	v5 =	vadd.f32 v46, v5  }
0x171: {  	v4 =	vadd.f32 v47, v4  }
0x172: {  	[tilespmem:s12+$0x40] =	vst v5  }
0x173: {  	v5 =	vld [tilespmem:s9+$0x50];
	[tilespmem:s12+$0xFFFFFFC0] =	vst v4  }
0x174: {  	v4 =	vld [tilespmem:s9+$0xFFFFFFD0]  }
0x175: {  	v48 =	vld [tilespmem:s26+$0x50]  }
0x176: {  	v2 =	vmul.f32 $1.131370830e+01, v2;
	v49 =	vld [tilespmem:s26+$0xFFFFFFD0];
	_ =	sdelay $0x1  }
0x177: {  	[tilespmem:s16+$0x50] =	vst v3;
	v1 =	vadd.f32 v1, v2;
	v50 =	vmul.f32 $1.131370830e+01, v5  }
0x178: {  	v3 =	vld [tilespmem:s8+$0x60];
	v53 =	vmul.f32 $1.131370830e+01, v4  }
0x179: {  	v51 =	vld [tilespmem:s14+$0x60];
	[tilespmem:s16+$0xFFFFFFD0] =	vst v1;
	v52 =	vadd.f32 v48, v50  }
0x17a: {  	v54 =	vld [tilespmem:s8+$0xFFFFFFE0];
	v56 =	vadd.f32 v49, v53  }
0x17b: {  	v55 =	vld [tilespmem:s14+$0xFFFFFFE0];
	[tilespmem:s12+$0x50] =	vst v52  }
0x17c: {  	v57 =	vld [tilespmem:s9+$0x60];
	[tilespmem:s12+$0xFFFFFFD0] =	vst v56  }
0x17d: {  	v3 =	vmul.f32 $1.131370830e+01, v3;
	v1 =	vld [tilespmem:s9+$0xFFFFFFE0]  }
0x17e: {  	v58 =	vld [tilespmem:s26+$0x60]  }
0x17f: {  	v3 =	vadd.f32 v51, v3;
	v4 =	vmul.f32 $1.131370830e+01, v54;
	v59 =	vld [tilespmem:s26+$0xFFFFFFE0];
	_ =	sdelay $0x1  }
0x180: {  	v61 =	vld [tilespmem:s2+$0xFFFFFFF0];
	[tilespmem:s16+$0x60] =	vst v3;
	v4 =	vadd.f32 v55, v4;
	v2 =	vmul.f32 $1.131370830e+01, v57  }
0x181: {  	v3 =	vld [tilespmem:s8+$0x70];
	v1 =	vmul.f32 $1.131370830e+01, v1  }
0x182: {  	v60 =	vld [tilespmem:s14+$0x70];
	[tilespmem:s16+$0xFFFFFFE0] =	vst v4;
	v2 =	vadd.f32 v58, v2  }
0x183: {  	v4 =	vld [tilespmem:s8+$0xFFFFFFF0];
	v1 =	vadd.f32 v59, v1  }
0x184: {  	v8 =	vld [tilespmem:s14+$0xFFFFFFF0];
	[tilespmem:s12+$0x60] =	vst v2  }
0x185: {  	v2 =	vld [tilespmem:s9+$0x70];
	[tilespmem:s12+$0xFFFFFFE0] =	vst v1  }
0x186: {  	v1 =	vld [tilespmem:s9+$0xFFFFFFF0]  }
0x187: {  	v0 =	vmul.f32 $1.131370830e+01, v0;
	v62 =	vld [tilespmem:s26+$0x70]  }
0x188: {  	v3 =	vmul.f32 $1.131370830e+01, v3;
	v9 =	vld [tilespmem:s26+$0xFFFFFFF0]  }
0x189: {  	v0 =	vadd.f32 v61, v0;
	v4 =	vmul.f32 $1.131370830e+01, v4  }
0x18a: {  	s30 =	sadd.s32 $0x1, s30;
	v3 =	vadd.f32 v60, v3;
	v2 =	vmul.f32 $1.131370830e+01, v2  }
0x18b: {  	p0 =	sne.s32 s30, $0x50;
	[tilespmem:s0+$0xFFFFFFF0] =	vst v0;
	v63 =	vadd.f32 v8, v4;
	v1 =	vmul.f32 $1.131370830e+01, v1  }
.Ltmp2:
0x18c: {  	[tilespmem:s16+$0x70] =	vst v3;
	v2 =	vadd.f32 v62, v2;
	(pc) =	sbr.rel @p0 .LBB2_2-.Ltmp2, $4  }
0x18d: {  	[tilespmem:s16+$0xFFFFFFF0] =	vst v63;
	v1 =	vadd.f32 v9, v1  }
0x18e: {  	s31 =	sshll.u32 s31, $0x4;
	[tilespmem:s12+$0x70] =	vst v2  }
0x18f: {  	s0 =	sadd.s32 s3, s31;
	[tilespmem:s12+$0xFFFFFFF0] =	vst v1  }
0x190: {  	[hbm4b:s0+s4] =	stream.linear.scatter [tilespmem:s25], [sflag:$0x4], $0x5000, $0x38;
	[tilespmem:$0x1E400] =	vst v63  }
0x191: {  	s0 =	simm.s32 $0x3  }
0x192: {  	_ =	swait.ge [sflag:s0], $0x5000  }
0x193: {  	[sflag:s0] =	ssyncset.done $0x0  }
0x194: {  	s2 =	simm.s32 $0x4;
	[sflag:s0] =	ssyncadd.s32 $0xFFFFB000  }
0x195: {  	_ =	swait.ge [sflag:s2], $0x5000  }
0x196: {  	s8 =	rddreg [dreg:$0x7]  }
0x197: {  	s31 =	rddreg [dreg:$0x6];
	s8 =	sadd.s32 $0x1, s8  }
0x198: {  	p0 =	sne.s32 s8, s31  }
.Ltmp3:
0x199: {  	_ = 	snop;
	(pc) =	sbr.rel @p0 .LBB2_1-.Ltmp3, $3  }
0x19a: {  	_ =	sdelay $0x1  }
0x19b: {  	[sflag:s2] =	ssyncset.done $0x0  }
0x19c: {  	[sflag:s2] =	ssyncadd.s32 $0xFFFFB000  }
0x19d: {  	_ =	sfence.sel $0x180000  }
0x19e: {  	[bflag:$0x0] =	sbarrier.arrive $0xFFFF  }
0x19f: {  	_ =	strace $0x90000047  }
0x1a0: {  	s0 =	stileid.u32;
	[bflag:$0x2] =	sbarrier.arrive $0xFFFF  }
0x1a1: {  	p0 =	sne.s32 s0, $0x0;
	s0 =	rddreg [dreg:$0x3]  }
0x1a2: {  	s0 =	sadd.s32 @!p0 $0x100000, s0  }
0x1a3: {  	[sflag:s0] =	ssyncadd.tile.s32 @!p0 $0x1;
	_ =	shalt  }
.Lfunc_end2:
_tile_overlayer_lowered:
.L_overlay_start_2:
0x1a4: {  	(tag) =	ssettag $0x2  }
0x1a5: {  	s0 =	rddreg [dreg:$0x0];
	s2 =	stileid.u32  }
0x1a6: {  	s1 =	rddreg [dreg:$0x1];
	p0 =	sne.s32 s2, $0x0  }
0x1a7: {  	s3 =	rddreg [dreg:$0x2];
	[bflag:$0x3] =	sbarrier.arrive $0xFFFF;
	s2 =	simm.s32 @!p0 $0x1C05  }
0x1a8: {  	[timem:s3], [sflag:s2] =	dma.local @!p0 [hbm:s0], s1  }
0x1a9: {  	s0 =	simm.s32 @!p0 $0x5  }
0x1aa: {  	_ =	swait.ge @!p0 [sflag:s0], s1  }
0x1ab: {  	s1 =	ssub.s32 @!p0 $0x0, s1;
	[sflag:s0] =	ssyncset.done @!p0 $0x0  }
0x1ac: {  	[sflag:s0] =	ssyncadd.s32 @!p0 s1  }
0x1ad: {  	[bflag:$0x3] =	sbarrier.arrive $0xFFFF  }
0x1ae: {  	_ =	shalt  }

</sc_bundles>
